<compile_context>
chip_gen: v7x
topology: tpu7x:2x2x1
jax: 0.10.2.dev20260603
libtpu: 0.0.44.dev20260713+nightly
codegen_flags: <defaults>
</compile_context>

<pallas_src>
import functools

import jax
import jax.numpy as jnp
from jax import lax
from jax.experimental import pallas as pl
from jax.experimental.pallas import tpu as pltpu
from jax.experimental.pallas import tpu_sc as plsc

D = 64
L = 16
IC = 128


def _fm_sc(uidx, iidx, ut, it, params):
    B = uidx.shape[0]
    info = plsc.get_sparse_core_info()
    NC, NS = info.num_cores, info.num_subcores
    NW = NC * NS
    b_per_w = B // NW
    n_chunks = b_per_w // IC

    mesh = plsc.VectorSubcoreMesh(core_axis_name="c", subcore_axis_name="s")

    @functools.partial(
        pl.kernel,
        mesh=mesh,
        out_type=jax.ShapeDtypeStruct((B,), jnp.float32),
        compiler_params=pltpu.CompilerParams(
            needs_layout_passes=False,
            use_tc_tiling_on_sc=False),
        scratch_types=[
            pltpu.VMEM((b_per_w,), jnp.int32),
            pltpu.VMEM((b_per_w,), jnp.int32),
            pltpu.VMEM((b_per_w, D), jnp.float32),
            pltpu.VMEM((b_per_w, D), jnp.float32),
            pltpu.VMEM((params.shape[0],), jnp.float32),
            pltpu.VMEM((b_per_w,), jnp.float32),
            pltpu.SemaphoreType.DMA,
        ],
    )
    def k(uidx_hbm, iidx_hbm, ut_hbm, it_hbm, p_hbm, out_hbm,
          uidx_v, iidx_v, urows, irows, w_v, out_v, sem):
        wid = lax.axis_index("s") * NC + lax.axis_index("c")
        base = wid * b_per_w
        if True:
            pltpu.sync_copy(uidx_hbm.at[pl.ds(base, b_per_w)], uidx_v)
            pltpu.sync_copy(iidx_hbm.at[pl.ds(base, b_per_w)], iidx_v)
            pltpu.sync_copy(p_hbm, w_v)

        def copies():
            cps = []
            for c in range(n_chunks):
                sl = pl.ds(c * IC, IC)
                cps.append(pltpu.make_async_copy(
                    ut_hbm.at[uidx_v.at[sl]], urows.at[sl], sem))
                cps.append(pltpu.make_async_copy(
                    it_hbm.at[iidx_v.at[sl]], irows.at[sl], sem))
            return cps

        if True:
            for cp in copies():
                cp.start()
            for cp in copies():
                cp.wait()

        ws = [w_v[pl.ds(s * L, L)] for s in range(D // L)]
        bias = w_v[pl.ds(D, L)]

        iota = lax.iota(jnp.int32, L)
        perms = [iota ^ (1 << k) for k in range(4)]
        masks = [(iota & (1 << k)) == 0 for k in range(4)]

        def block(blk, carry):
            base16 = blk * L
            vs = []
            for j in range(L):
                e = base16 + j
                acc = None
                for s in range(D // L):
                    t = ((urows[e, pl.ds(s * L, L)] + ws[s])
                         * (irows[e, pl.ds(s * L, L)] + ws[s]))
                    acc = t if acc is None else acc + t
                vs.append(acc)
            for k in range(4):
                m, p = masks[k], perms[k]
                vs = [jnp.where(m, a, b) +
                      jnp.take_along_axis(jnp.where(m, b, a), p, axis=0)
                      for a, b in zip(vs[0::2], vs[1::2])]
            out_v[pl.ds(base16, L)] = vs[0] + bias
            return carry

        lax.fori_loop(0, b_per_w // L, block, 0)

        pltpu.sync_copy(out_v, out_hbm.at[pl.ds(base, b_per_w)])

    return k(uidx, iidx, ut, it, params)


def kernel(user_idx, item_idx, user_table, item_table, w, b):
    ui = user_idx.astype(jnp.int32)
    ii = item_idx.astype(jnp.int32)
    wf = w.astype(jnp.float32)
    eff_bias = b.astype(jnp.float32) - jnp.sum(wf * wf)
    params = jnp.concatenate(
        [wf,
         jnp.broadcast_to(eff_bias, (L,)),
         jnp.zeros((128 - D - L,), jnp.float32)])
    return _fm_sc(ui, ii, user_table, item_table, params)

# --- scband reference (transcript-rebuilt; emitter-appended) ---
"""Pipeline reference for scband-fm-88252987998526 (READ-ONLY COPY).

The authoritative reference and input builder live on the scoring server;
editing this copy changes nothing except your own understanding.
"""

import jax, jax.numpy as jnp
import numpy as np

NUM_USERS = 1000000
NUM_ITEMS = 100000
EMBED_DIM = 64
BATCH = 16384


def setup_inputs(seed: int = 0) -> dict:
    key = jax.random.key(seed)
    k1, k2, k3, k4, k5, k6 = jax.random.split(key, 6)
    user_idx = jax.random.randint(k1, (BATCH,), 0, NUM_USERS, dtype=jnp.int64 if jax.config.jax_enable_x64 else jnp.int32)
    item_idx = jax.random.randint(k2, (BATCH,), 0, NUM_ITEMS, dtype=jnp.int64 if jax.config.jax_enable_x64 else jnp.int32)
    user_table = jax.random.normal(k3, (NUM_USERS, EMBED_DIM), dtype=jnp.float32)
    item_table = jax.random.normal(k4, (NUM_ITEMS, EMBED_DIM), dtype=jnp.float32)
    # nn.Linear(embedding_dim, 1): weight [1, EMBED_DIM], bias [1]
    bound = 1.0 / np.sqrt(EMBED_DIM)
    w = jax.random.uniform(k5, (EMBED_DIM,), minval=-bound, maxval=bound, dtype=jnp.float32)
    b = jax.random.uniform(k6, (1,), minval=-bound, maxval=bound, dtype=jnp.float32)
    return {"user_idx": user_idx, "item_idx": item_idx, "user_table": user_table, "item_table": item_table, "w": w, "b": b}


def reference(user_idx, item_idx, user_table, item_table, w, b):
    # Embedding lookups (gather)
    user_emb = jnp.take(user_table, user_idx, axis=0)  # [B, D]
    item_emb = jnp.take(item_table, item_idx, axis=0)  # [B, D]
    # num_contexts == 0 path of FM.forward
    fm_term = jnp.sum(user_emb * item_emb, axis=1)  # [B]
    linear_term = (user_emb + item_emb) @ w + b[0]  # [B] (Linear -> [B,1] -> squeeze)
    output = fm_term + linear_term  # [B]
    return output

if __name__ == "__main__":
    import jax
    _d = setup_inputs()
    print(jax.jit(kernel)(*tuple(_d.values())))

</pallas_src>

<mosaic_0001>
#map = affine_map<(d0, d1) -> (0)>
#map1 = affine_map<(d0, d1) -> (0, 0)>
module attributes {stable_mosaic.version = 14 : i64} {
  func.func @k(%arg0: i32, %arg1: i32, %arg2: memref<16384xi32, #tpu.memory_space<hbm>>, %arg3: memref<16384xi32, #tpu.memory_space<hbm>>, %arg4: memref<1000000x64xf32, #tpu.memory_space<hbm>>, %arg5: memref<100000x64xf32, #tpu.memory_space<hbm>>, %arg6: memref<128xf32, #tpu.memory_space<hbm>>, %arg7: memref<16384xf32, #tpu.memory_space<hbm>>, %arg8: memref<512xi32, #tpu.memory_space<vmem>>, %arg9: memref<512xi32, #tpu.memory_space<vmem>>, %arg10: memref<512x64xf32, #tpu.memory_space<vmem>>, %arg11: memref<512x64xf32, #tpu.memory_space<vmem>>, %arg12: memref<128xf32, #tpu.memory_space<vmem>>, %arg13: memref<512xf32, #tpu.memory_space<vmem>>, %arg14: memref<!tpu.dma_semaphore, #tpu.memory_space<semaphore_mem>>) attributes {dimension_semantics = [#tpu.dimension_semantics<core_parallel>, #tpu.dimension_semantics<subcore_parallel>], iteration_bounds = array<i64: 2, 16>, scalar_prefetch = 0 : i64, scratch_operands = 7 : i64, tpu.core_type = #tpu.core_type<sc_vector_subcore>, window_params = [{transform_indices = #map}, {transform_indices = #map}, {transform_indices = #map1}, {transform_indices = #map1}, {transform_indices = #map}, {transform_indices = #map}]} {
    %mul3A = arith.constant 2 : i32
    %mul3A_0 = arith.muli %arg1, %mul3A : i32
    %add3A = arith.addi %mul3A_0, %arg0 : i32
    %mul3A_1 = arith.constant 512 : i32
    %mul3A_2 = arith.muli %add3A, %mul3A_1 : i32
    "tpu.region"() ({
      %run_scoped3A = tpu.sem_alloc : memref<!tpu.dma_semaphore, #tpu.memory_space<semaphore_mem>>
      %dma_start3A_176 = tpu.memref_slice %arg2[%mul3A_2] : memref<16384xi32, #tpu.memory_space<hbm>> -> memref<512xi32, #tpu.memory_space<hbm>>
      %dma_start3A_177 = tpu.memref_slice %arg2[%mul3A_2] : memref<16384xi32, #tpu.memory_space<hbm>> -> memref<512xi32, #tpu.memory_space<hbm>>
      tpu.enqueue_dma source(%dma_start3A_177 : memref<512xi32, #tpu.memory_space<hbm>>) target(%arg8 : memref<512xi32, #tpu.memory_space<vmem>>) target_semaphore(%run_scoped3A : memref<!tpu.dma_semaphore, #tpu.memory_space<semaphore_mem>>)
      %dma_wait3A_178 = tpu.memref_slice %arg2[%mul3A_2] : memref<16384xi32, #tpu.memory_space<hbm>> -> memref<512xi32, #tpu.memory_space<hbm>>
      %dma_wait3A_179 = tpu.memref_slice %arg2[%mul3A_2] : memref<16384xi32, #tpu.memory_space<hbm>> -> memref<512xi32, #tpu.memory_space<hbm>>
      tpu.wait_dma2 semaphore(%run_scoped3A : memref<!tpu.dma_semaphore, #tpu.memory_space<semaphore_mem>>) src(%dma_wait3A_179 : memref<512xi32, #tpu.memory_space<hbm>>) dst(%arg8 : memref<512xi32, #tpu.memory_space<vmem>>)
      tpu.yield
    }) : () -> ()
    "tpu.region"() ({
      %run_scoped3A = tpu.sem_alloc : memref<!tpu.dma_semaphore, #tpu.memory_space<semaphore_mem>>
      %dma_start3A_176 = tpu.memref_slice %arg3[%mul3A_2] : memref<16384xi32, #tpu.memory_space<hbm>> -> memref<512xi32, #tpu.memory_space<hbm>>
      %dma_start3A_177 = tpu.memref_slice %arg3[%mul3A_2] : memref<16384xi32, #tpu.memory_space<hbm>> -> memref<512xi32, #tpu.memory_space<hbm>>
      tpu.enqueue_dma source(%dma_start3A_177 : memref<512xi32, #tpu.memory_space<hbm>>) target(%arg9 : memref<512xi32, #tpu.memory_space<vmem>>) target_semaphore(%run_scoped3A : memref<!tpu.dma_semaphore, #tpu.memory_space<semaphore_mem>>)
      %dma_wait3A_178 = tpu.memref_slice %arg3[%mul3A_2] : memref<16384xi32, #tpu.memory_space<hbm>> -> memref<512xi32, #tpu.memory_space<hbm>>
      %dma_wait3A_179 = tpu.memref_slice %arg3[%mul3A_2] : memref<16384xi32, #tpu.memory_space<hbm>> -> memref<512xi32, #tpu.memory_space<hbm>>
      tpu.wait_dma2 semaphore(%run_scoped3A : memref<!tpu.dma_semaphore, #tpu.memory_space<semaphore_mem>>) src(%dma_wait3A_179 : memref<512xi32, #tpu.memory_space<hbm>>) dst(%arg9 : memref<512xi32, #tpu.memory_space<vmem>>)
      tpu.yield
    }) : () -> ()
    "tpu.region"() ({
      %run_scoped3A = tpu.sem_alloc : memref<!tpu.dma_semaphore, #tpu.memory_space<semaphore_mem>>
      tpu.enqueue_dma source(%arg6 : memref<128xf32, #tpu.memory_space<hbm>>) target(%arg12 : memref<128xf32, #tpu.memory_space<vmem>>) target_semaphore(%run_scoped3A : memref<!tpu.dma_semaphore, #tpu.memory_space<semaphore_mem>>)
      tpu.wait_dma2 semaphore(%run_scoped3A : memref<!tpu.dma_semaphore, #tpu.memory_space<semaphore_mem>>) src(%arg6 : memref<128xf32, #tpu.memory_space<hbm>>) dst(%arg12 : memref<128xf32, #tpu.memory_space<vmem>>)
      tpu.yield
    }) : () -> ()
    %dma_start3A = arith.constant 0 : i32
    %dma_start3A_3 = arith.constant 0 : i32
    %dma_start3A_4 = tpu.memref_slice %arg10[%dma_start3A, %dma_start3A_3] : memref<512x64xf32, #tpu.memory_space<vmem>> -> memref<128x64xf32, #tpu.memory_space<vmem>>
    %dma_start3A_5 = arith.constant 0 : i32
    %dma_start3A_6 = tpu.memref_slice %arg8[%dma_start3A_5] : memref<512xi32, #tpu.memory_space<vmem>> -> memref<128xi32, #tpu.memory_space<vmem>>
    %dma_start3A_7 = arith.constant 0 : i32
    %dma_start3A_8 = arith.constant 0 : i32
    %dma_start3A_9 = tpu.memref_slice %arg4[%dma_start3A_7, %dma_start3A_8] : memref<1000000x64xf32, #tpu.memory_space<hbm>> -> memref<1000000x64xf32, #tpu.memory_space<hbm>>
    tpu.enqueue_indirect_dma source(%dma_start3A_9 : memref<1000000x64xf32, #tpu.memory_space<hbm>>) target(%dma_start3A_4 : memref<128x64xf32, #tpu.memory_space<vmem>>) offsets(%dma_start3A_6 : memref<128xi32, #tpu.memory_space<vmem>>) semaphore(%arg14 : memref<!tpu.dma_semaphore, #tpu.memory_space<semaphore_mem>>)
    %dma_start3A_10 = arith.constant 0 : i32
    %dma_start3A_11 = arith.constant 0 : i32
    %dma_start3A_12 = tpu.memref_slice %arg11[%dma_start3A_10, %dma_start3A_11] : memref<512x64xf32, #tpu.memory_space<vmem>> -> memref<128x64xf32, #tpu.memory_space<vmem>>
    %dma_start3A_13 = arith.constant 0 : i32
    %dma_start3A_14 = tpu.memref_slice %arg9[%dma_start3A_13] : memref<512xi32, #tpu.memory_space<vmem>> -> memref<128xi32, #tpu.memory_space<vmem>>
    %dma_start3A_15 = arith.constant 0 : i32
    %dma_start3A_16 = arith.constant 0 : i32
    %dma_start3A_17 = tpu.memref_slice %arg5[%dma_start3A_15, %dma_start3A_16] : memref<100000x64xf32, #tpu.memory_space<hbm>> -> memref<100000x64xf32, #tpu.memory_space<hbm>>
    tpu.enqueue_indirect_dma source(%dma_start3A_17 : memref<100000x64xf32, #tpu.memory_space<hbm>>) target(%dma_start3A_12 : memref<128x64xf32, #tpu.memory_space<vmem>>) offsets(%dma_start3A_14 : memref<128xi32, #tpu.memory_space<vmem>>) semaphore(%arg14 : memref<!tpu.dma_semaphore, #tpu.memory_space<semaphore_mem>>)
    %dma_start3A_18 = arith.constant 128 : i32
    %dma_start3A_19 = arith.constant 0 : i32
    %dma_start3A_20 = tpu.memref_slice %arg10[%dma_start3A_18, %dma_start3A_19] : memref<512x64xf32, #tpu.memory_space<vmem>> -> memref<128x64xf32, #tpu.memory_space<vmem>>
    %dma_start3A_21 = arith.constant 128 : i32
    %dma_start3A_22 = tpu.memref_slice %arg8[%dma_start3A_21] : memref<512xi32, #tpu.memory_space<vmem>> -> memref<128xi32, #tpu.memory_space<vmem>>
    %dma_start3A_23 = arith.constant 0 : i32
    %dma_start3A_24 = arith.constant 0 : i32
    %dma_start3A_25 = tpu.memref_slice %arg4[%dma_start3A_23, %dma_start3A_24] : memref<1000000x64xf32, #tpu.memory_space<hbm>> -> memref<1000000x64xf32, #tpu.memory_space<hbm>>
    tpu.enqueue_indirect_dma source(%dma_start3A_25 : memref<1000000x64xf32, #tpu.memory_space<hbm>>) target(%dma_start3A_20 : memref<128x64xf32, #tpu.memory_space<vmem>>) offsets(%dma_start3A_22 : memref<128xi32, #tpu.memory_space<vmem>>) semaphore(%arg14 : memref<!tpu.dma_semaphore, #tpu.memory_space<semaphore_mem>>)
    %dma_start3A_26 = arith.constant 128 : i32
    %dma_start3A_27 = arith.constant 0 : i32
    %dma_start3A_28 = tpu.memref_slice %arg11[%dma_start3A_26, %dma_start3A_27] : memref<512x64xf32, #tpu.memory_space<vmem>> -> memref<128x64xf32, #tpu.memory_space<vmem>>
    %dma_start3A_29 = arith.constant 128 : i32
    %dma_start3A_30 = tpu.memref_slice %arg9[%dma_start3A_29] : memref<512xi32, #tpu.memory_space<vmem>> -> memref<128xi32, #tpu.memory_space<vmem>>
    %dma_start3A_31 = arith.constant 0 : i32
    %dma_start3A_32 = arith.constant 0 : i32
    %dma_start3A_33 = tpu.memref_slice %arg5[%dma_start3A_31, %dma_start3A_32] : memref<100000x64xf32, #tpu.memory_space<hbm>> -> memref<100000x64xf32, #tpu.memory_space<hbm>>
    tpu.enqueue_indirect_dma source(%dma_start3A_33 : memref<100000x64xf32, #tpu.memory_space<hbm>>) target(%dma_start3A_28 : memref<128x64xf32, #tpu.memory_space<vmem>>) offsets(%dma_start3A_30 : memref<128xi32, #tpu.memory_space<vmem>>) semaphore(%arg14 : memref<!tpu.dma_semaphore, #tpu.memory_space<semaphore_mem>>)
    %dma_start3A_34 = arith.constant 256 : i32
    %dma_start3A_35 = arith.constant 0 : i32
    %dma_start3A_36 = tpu.memref_slice %arg10[%dma_start3A_34, %dma_start3A_35] : memref<512x64xf32, #tpu.memory_space<vmem>> -> memref<128x64xf32, #tpu.memory_space<vmem>>
    %dma_start3A_37 = arith.constant 256 : i32
    %dma_start3A_38 = tpu.memref_slice %arg8[%dma_start3A_37] : memref<512xi32, #tpu.memory_space<vmem>> -> memref<128xi32, #tpu.memory_space<vmem>>
    %dma_start3A_39 = arith.constant 0 : i32
    %dma_start3A_40 = arith.constant 0 : i32
    %dma_start3A_41 = tpu.memref_slice %arg4[%dma_start3A_39, %dma_start3A_40] : memref<1000000x64xf32, #tpu.memory_space<hbm>> -> memref<1000000x64xf32, #tpu.memory_space<hbm>>
    tpu.enqueue_indirect_dma source(%dma_start3A_41 : memref<1000000x64xf32, #tpu.memory_space<hbm>>) target(%dma_start3A_36 : memref<128x64xf32, #tpu.memory_space<vmem>>) offsets(%dma_start3A_38 : memref<128xi32, #tpu.memory_space<vmem>>) semaphore(%arg14 : memref<!tpu.dma_semaphore, #tpu.memory_space<semaphore_mem>>)
    %dma_start3A_42 = arith.constant 256 : i32
    %dma_start3A_43 = arith.constant 0 : i32
    %dma_start3A_44 = tpu.memref_slice %arg11[%dma_start3A_42, %dma_start3A_43] : memref<512x64xf32, #tpu.memory_space<vmem>> -> memref<128x64xf32, #tpu.memory_space<vmem>>
    %dma_start3A_45 = arith.constant 256 : i32
    %dma_start3A_46 = tpu.memref_slice %arg9[%dma_start3A_45] : memref<512xi32, #tpu.memory_space<vmem>> -> memref<128xi32, #tpu.memory_space<vmem>>
    %dma_start3A_47 = arith.constant 0 : i32
    %dma_start3A_48 = arith.constant 0 : i32
    %dma_start3A_49 = tpu.memref_slice %arg5[%dma_start3A_47, %dma_start3A_48] : memref<100000x64xf32, #tpu.memory_space<hbm>> -> memref<100000x64xf32, #tpu.memory_space<hbm>>
    tpu.enqueue_indirect_dma source(%dma_start3A_49 : memref<100000x64xf32, #tpu.memory_space<hbm>>) target(%dma_start3A_44 : memref<128x64xf32, #tpu.memory_space<vmem>>) offsets(%dma_start3A_46 : memref<128xi32, #tpu.memory_space<vmem>>) semaphore(%arg14 : memref<!tpu.dma_semaphore, #tpu.memory_space<semaphore_mem>>)
    %dma_start3A_50 = arith.constant 384 : i32
    %dma_start3A_51 = arith.constant 0 : i32
    %dma_start3A_52 = tpu.memref_slice %arg10[%dma_start3A_50, %dma_start3A_51] : memref<512x64xf32, #tpu.memory_space<vmem>> -> memref<128x64xf32, #tpu.memory_space<vmem>>
    %dma_start3A_53 = arith.constant 384 : i32
    %dma_start3A_54 = tpu.memref_slice %arg8[%dma_start3A_53] : memref<512xi32, #tpu.memory_space<vmem>> -> memref<128xi32, #tpu.memory_space<vmem>>
    %dma_start3A_55 = arith.constant 0 : i32
    %dma_start3A_56 = arith.constant 0 : i32
    %dma_start3A_57 = tpu.memref_slice %arg4[%dma_start3A_55, %dma_start3A_56] : memref<1000000x64xf32, #tpu.memory_space<hbm>> -> memref<1000000x64xf32, #tpu.memory_space<hbm>>
    tpu.enqueue_indirect_dma source(%dma_start3A_57 : memref<1000000x64xf32, #tpu.memory_space<hbm>>) target(%dma_start3A_52 : memref<128x64xf32, #tpu.memory_space<vmem>>) offsets(%dma_start3A_54 : memref<128xi32, #tpu.memory_space<vmem>>) semaphore(%arg14 : memref<!tpu.dma_semaphore, #tpu.memory_space<semaphore_mem>>)
    %dma_start3A_58 = arith.constant 384 : i32
    %dma_start3A_59 = arith.constant 0 : i32
    %dma_start3A_60 = tpu.memref_slice %arg11[%dma_start3A_58, %dma_start3A_59] : memref<512x64xf32, #tpu.memory_space<vmem>> -> memref<128x64xf32, #tpu.memory_space<vmem>>
    %dma_start3A_61 = arith.constant 384 : i32
    %dma_start3A_62 = tpu.memref_slice %arg9[%dma_start3A_61] : memref<512xi32, #tpu.memory_space<vmem>> -> memref<128xi32, #tpu.memory_space<vmem>>
    %dma_start3A_63 = arith.constant 0 : i32
    %dma_start3A_64 = arith.constant 0 : i32
    %dma_start3A_65 = tpu.memref_slice %arg5[%dma_start3A_63, %dma_start3A_64] : memref<100000x64xf32, #tpu.memory_space<hbm>> -> memref<100000x64xf32, #tpu.memory_space<hbm>>
    tpu.enqueue_indirect_dma source(%dma_start3A_65 : memref<100000x64xf32, #tpu.memory_space<hbm>>) target(%dma_start3A_60 : memref<128x64xf32, #tpu.memory_space<vmem>>) offsets(%dma_start3A_62 : memref<128xi32, #tpu.memory_space<vmem>>) semaphore(%arg14 : memref<!tpu.dma_semaphore, #tpu.memory_space<semaphore_mem>>)
    %dma_wait3A = arith.constant 0 : i32
    %dma_wait3A_66 = arith.constant 0 : i32
    %dma_wait3A_67 = tpu.memref_slice %arg10[%dma_wait3A, %dma_wait3A_66] : memref<512x64xf32, #tpu.memory_space<vmem>> -> memref<128x64xf32, #tpu.memory_space<vmem>>
    %dma_wait3A_68 = arith.constant 0 : i32
    %dma_wait3A_69 = tpu.memref_slice %arg8[%dma_wait3A_68] : memref<512xi32, #tpu.memory_space<vmem>> -> memref<128xi32, #tpu.memory_space<vmem>>
    %dma_wait3A_70 = arith.constant 0 : i32
    %dma_wait3A_71 = arith.constant 0 : i32
    %dma_wait3A_72 = tpu.memref_slice %arg4[%dma_wait3A_70, %dma_wait3A_71] : memref<1000000x64xf32, #tpu.memory_space<hbm>> -> memref<1000000x64xf32, #tpu.memory_space<hbm>>
    tpu.wait_indirect_dma semaphore(%arg14 : memref<!tpu.dma_semaphore, #tpu.memory_space<semaphore_mem>>) src(%dma_wait3A_72 : memref<1000000x64xf32, #tpu.memory_space<hbm>>) dst(%dma_wait3A_67 : memref<128x64xf32, #tpu.memory_space<vmem>>)
    %dma_wait3A_73 = arith.constant 0 : i32
    %dma_wait3A_74 = arith.constant 0 : i32
    %dma_wait3A_75 = tpu.memref_slice %arg11[%dma_wait3A_73, %dma_wait3A_74] : memref<512x64xf32, #tpu.memory_space<vmem>> -> memref<128x64xf32, #tpu.memory_space<vmem>>
    %dma_wait3A_76 = arith.constant 0 : i32
    %dma_wait3A_77 = tpu.memref_slice %arg9[%dma_wait3A_76] : memref<512xi32, #tpu.memory_space<vmem>> -> memref<128xi32, #tpu.memory_space<vmem>>
    %dma_wait3A_78 = arith.constant 0 : i32
    %dma_wait3A_79 = arith.constant 0 : i32
    %dma_wait3A_80 = tpu.memref_slice %arg5[%dma_wait3A_78, %dma_wait3A_79] : memref<100000x64xf32, #tpu.memory_space<hbm>> -> memref<100000x64xf32, #tpu.memory_space<hbm>>
    tpu.wait_indirect_dma semaphore(%arg14 : memref<!tpu.dma_semaphore, #tpu.memory_space<semaphore_mem>>) src(%dma_wait3A_80 : memref<100000x64xf32, #tpu.memory_space<hbm>>) dst(%dma_wait3A_75 : memref<128x64xf32, #tpu.memory_space<vmem>>)
    %dma_wait3A_81 = arith.constant 128 : i32
    %dma_wait3A_82 = arith.constant 0 : i32
    %dma_wait3A_83 = tpu.memref_slice %arg10[%dma_wait3A_81, %dma_wait3A_82] : memref<512x64xf32, #tpu.memory_space<vmem>> -> memref<128x64xf32, #tpu.memory_space<vmem>>
    %dma_wait3A_84 = arith.constant 128 : i32
    %dma_wait3A_85 = tpu.memref_slice %arg8[%dma_wait3A_84] : memref<512xi32, #tpu.memory_space<vmem>> -> memref<128xi32, #tpu.memory_space<vmem>>
    %dma_wait3A_86 = arith.constant 0 : i32
    %dma_wait3A_87 = arith.constant 0 : i32
    %dma_wait3A_88 = tpu.memref_slice %arg4[%dma_wait3A_86, %dma_wait3A_87] : memref<1000000x64xf32, #tpu.memory_space<hbm>> -> memref<1000000x64xf32, #tpu.memory_space<hbm>>
    tpu.wait_indirect_dma semaphore(%arg14 : memref<!tpu.dma_semaphore, #tpu.memory_space<semaphore_mem>>) src(%dma_wait3A_88 : memref<1000000x64xf32, #tpu.memory_space<hbm>>) dst(%dma_wait3A_83 : memref<128x64xf32, #tpu.memory_space<vmem>>)
    %dma_wait3A_89 = arith.constant 128 : i32
    %dma_wait3A_90 = arith.constant 0 : i32
    %dma_wait3A_91 = tpu.memref_slice %arg11[%dma_wait3A_89, %dma_wait3A_90] : memref<512x64xf32, #tpu.memory_space<vmem>> -> memref<128x64xf32, #tpu.memory_space<vmem>>
    %dma_wait3A_92 = arith.constant 128 : i32
    %dma_wait3A_93 = tpu.memref_slice %arg9[%dma_wait3A_92] : memref<512xi32, #tpu.memory_space<vmem>> -> memref<128xi32, #tpu.memory_space<vmem>>
    %dma_wait3A_94 = arith.constant 0 : i32
    %dma_wait3A_95 = arith.constant 0 : i32
    %dma_wait3A_96 = tpu.memref_slice %arg5[%dma_wait3A_94, %dma_wait3A_95] : memref<100000x64xf32, #tpu.memory_space<hbm>> -> memref<100000x64xf32, #tpu.memory_space<hbm>>
    tpu.wait_indirect_dma semaphore(%arg14 : memref<!tpu.dma_semaphore, #tpu.memory_space<semaphore_mem>>) src(%dma_wait3A_96 : memref<100000x64xf32, #tpu.memory_space<hbm>>) dst(%dma_wait3A_91 : memref<128x64xf32, #tpu.memory_space<vmem>>)
    %dma_wait3A_97 = arith.constant 256 : i32
    %dma_wait3A_98 = arith.constant 0 : i32
    %dma_wait3A_99 = tpu.memref_slice %arg10[%dma_wait3A_97, %dma_wait3A_98] : memref<512x64xf32, #tpu.memory_space<vmem>> -> memref<128x64xf32, #tpu.memory_space<vmem>>
    %dma_wait3A_100 = arith.constant 256 : i32
    %dma_wait3A_101 = tpu.memref_slice %arg8[%dma_wait3A_100] : memref<512xi32, #tpu.memory_space<vmem>> -> memref<128xi32, #tpu.memory_space<vmem>>
    %dma_wait3A_102 = arith.constant 0 : i32
    %dma_wait3A_103 = arith.constant 0 : i32
    %dma_wait3A_104 = tpu.memref_slice %arg4[%dma_wait3A_102, %dma_wait3A_103] : memref<1000000x64xf32, #tpu.memory_space<hbm>> -> memref<1000000x64xf32, #tpu.memory_space<hbm>>
    tpu.wait_indirect_dma semaphore(%arg14 : memref<!tpu.dma_semaphore, #tpu.memory_space<semaphore_mem>>) src(%dma_wait3A_104 : memref<1000000x64xf32, #tpu.memory_space<hbm>>) dst(%dma_wait3A_99 : memref<128x64xf32, #tpu.memory_space<vmem>>)
    %dma_wait3A_105 = arith.constant 256 : i32
    %dma_wait3A_106 = arith.constant 0 : i32
    %dma_wait3A_107 = tpu.memref_slice %arg11[%dma_wait3A_105, %dma_wait3A_106] : memref<512x64xf32, #tpu.memory_space<vmem>> -> memref<128x64xf32, #tpu.memory_space<vmem>>
    %dma_wait3A_108 = arith.constant 256 : i32
    %dma_wait3A_109 = tpu.memref_slice %arg9[%dma_wait3A_108] : memref<512xi32, #tpu.memory_space<vmem>> -> memref<128xi32, #tpu.memory_space<vmem>>
    %dma_wait3A_110 = arith.constant 0 : i32
    %dma_wait3A_111 = arith.constant 0 : i32
    %dma_wait3A_112 = tpu.memref_slice %arg5[%dma_wait3A_110, %dma_wait3A_111] : memref<100000x64xf32, #tpu.memory_space<hbm>> -> memref<100000x64xf32, #tpu.memory_space<hbm>>
    tpu.wait_indirect_dma semaphore(%arg14 : memref<!tpu.dma_semaphore, #tpu.memory_space<semaphore_mem>>) src(%dma_wait3A_112 : memref<100000x64xf32, #tpu.memory_space<hbm>>) dst(%dma_wait3A_107 : memref<128x64xf32, #tpu.memory_space<vmem>>)
    %dma_wait3A_113 = arith.constant 384 : i32
    %dma_wait3A_114 = arith.constant 0 : i32
    %dma_wait3A_115 = tpu.memref_slice %arg10[%dma_wait3A_113, %dma_wait3A_114] : memref<512x64xf32, #tpu.memory_space<vmem>> -> memref<128x64xf32, #tpu.memory_space<vmem>>
    %dma_wait3A_116 = arith.constant 384 : i32
    %dma_wait3A_117 = tpu.memref_slice %arg8[%dma_wait3A_116] : memref<512xi32, #tpu.memory_space<vmem>> -> memref<128xi32, #tpu.memory_space<vmem>>
    %dma_wait3A_118 = arith.constant 0 : i32
    %dma_wait3A_119 = arith.constant 0 : i32
    %dma_wait3A_120 = tpu.memref_slice %arg4[%dma_wait3A_118, %dma_wait3A_119] : memref<1000000x64xf32, #tpu.memory_space<hbm>> -> memref<1000000x64xf32, #tpu.memory_space<hbm>>
    tpu.wait_indirect_dma semaphore(%arg14 : memref<!tpu.dma_semaphore, #tpu.memory_space<semaphore_mem>>) src(%dma_wait3A_120 : memref<1000000x64xf32, #tpu.memory_space<hbm>>) dst(%dma_wait3A_115 : memref<128x64xf32, #tpu.memory_space<vmem>>)
    %dma_wait3A_121 = arith.constant 384 : i32
    %dma_wait3A_122 = arith.constant 0 : i32
    %dma_wait3A_123 = tpu.memref_slice %arg11[%dma_wait3A_121, %dma_wait3A_122] : memref<512x64xf32, #tpu.memory_space<vmem>> -> memref<128x64xf32, #tpu.memory_space<vmem>>
    %dma_wait3A_124 = arith.constant 384 : i32
    %dma_wait3A_125 = tpu.memref_slice %arg9[%dma_wait3A_124] : memref<512xi32, #tpu.memory_space<vmem>> -> memref<128xi32, #tpu.memory_space<vmem>>
    %dma_wait3A_126 = arith.constant 0 : i32
    %dma_wait3A_127 = arith.constant 0 : i32
    %dma_wait3A_128 = tpu.memref_slice %arg5[%dma_wait3A_126, %dma_wait3A_127] : memref<100000x64xf32, #tpu.memory_space<hbm>> -> memref<100000x64xf32, #tpu.memory_space<hbm>>
    tpu.wait_indirect_dma semaphore(%arg14 : memref<!tpu.dma_semaphore, #tpu.memory_space<semaphore_mem>>) src(%dma_wait3A_128 : memref<100000x64xf32, #tpu.memory_space<hbm>>) dst(%dma_wait3A_123 : memref<128x64xf32, #tpu.memory_space<vmem>>)
    %get3A = arith.constant 0 : index
    %get3A_129 = tpu.vector_load %arg12[%get3A] {strides = array<i32>} : memref<128xf32, #tpu.memory_space<vmem>>, vector<16xf32>,
    %get3A_130 = arith.constant 16 : index
    %get3A_131 = tpu.vector_load %arg12[%get3A_130] {strides = array<i32>} : memref<128xf32, #tpu.memory_space<vmem>>, vector<16xf32>,
    %get3A_132 = arith.constant 32 : index
    %get3A_133 = tpu.vector_load %arg12[%get3A_132] {strides = array<i32>} : memref<128xf32, #tpu.memory_space<vmem>>, vector<16xf32>,
    %get3A_134 = arith.constant 48 : index
    %get3A_135 = tpu.vector_load %arg12[%get3A_134] {strides = array<i32>} : memref<128xf32, #tpu.memory_space<vmem>>, vector<16xf32>,
    %get3A_136 = arith.constant 64 : index
    %get3A_137 = tpu.vector_load %arg12[%get3A_136] {strides = array<i32>} : memref<128xf32, #tpu.memory_space<vmem>>, vector<16xf32>,
    %iota3A = tpu.iota {dimensions = array<i32: 0>} : vector<16xi32>
    %xor3A = arith.constant 1 : i32
    %xor3A_138 = vector.broadcast %xor3A : i32 to vector<16xi32>
    %xor3A_139 = arith.xori %iota3A, %xor3A_138 : vector<16xi32>
    %xor3A_140 = arith.constant 2 : i32
    %xor3A_141 = vector.broadcast %xor3A_140 : i32 to vector<16xi32>
    %xor3A_142 = arith.xori %iota3A, %xor3A_141 : vector<16xi32>
    %xor3A_143 = arith.constant 4 : i32
    %xor3A_144 = vector.broadcast %xor3A_143 : i32 to vector<16xi32>
    %xor3A_145 = arith.xori %iota3A, %xor3A_144 : vector<16xi32>
    %xor3A_146 = arith.constant 8 : i32
    %xor3A_147 = vector.broadcast %xor3A_146 : i32 to vector<16xi32>
    %xor3A_148 = arith.xori %iota3A, %xor3A_147 : vector<16xi32>
    %and3A = arith.constant 1 : i32
    %and3A_149 = vector.broadcast %and3A : i32 to vector<16xi32>
    %and3A_150 = arith.andi %iota3A, %and3A_149 : vector<16xi32>
    %eq3A = arith.constant 0 : i32
    %eq3A_151 = vector.broadcast %eq3A : i32 to vector<16xi32>
    %eq3A_152 = arith.cmpi eq, %and3A_150, %eq3A_151 : vector<16xi32>
    %and3A_153 = arith.constant 2 : i32
    %and3A_154 = vector.broadcast %and3A_153 : i32 to vector<16xi32>
    %and3A_155 = arith.andi %iota3A, %and3A_154 : vector<16xi32>
    %eq3A_156 = arith.constant 0 : i32
    %eq3A_157 = vector.broadcast %eq3A_156 : i32 to vector<16xi32>
    %eq3A_158 = arith.cmpi eq, %and3A_155, %eq3A_157 : vector<16xi32>
    %and3A_159 = arith.constant 4 : i32
    %and3A_160 = vector.broadcast %and3A_159 : i32 to vector<16xi32>
    %and3A_161 = arith.andi %iota3A, %and3A_160 : vector<16xi32>
    %eq3A_162 = arith.constant 0 : i32
    %eq3A_163 = vector.broadcast %eq3A_162 : i32 to vector<16xi32>
    %eq3A_164 = arith.cmpi eq, %and3A_161, %eq3A_163 : vector<16xi32>
    %and3A_165 = arith.constant 8 : i32
    %and3A_166 = vector.broadcast %and3A_165 : i32 to vector<16xi32>
    %and3A_167 = arith.andi %iota3A, %and3A_166 : vector<16xi32>
    %eq3A_168 = arith.constant 0 : i32
    %eq3A_169 = vector.broadcast %eq3A_168 : i32 to vector<16xi32>
    %eq3A_170 = arith.cmpi eq, %and3A_167, %eq3A_169 : vector<16xi32>
    %scan3A = arith.constant 0 : i32
    %scan3A_171 = arith.constant 0 : i32
    %scan3A_172 = arith.constant 32 : i32
    %scan3A_173 = arith.addi %scan3A_171, %scan3A_172 : i32
    %scan3A_174 = arith.constant 1 : i32
    scf.for %scan3A_176 = %scan3A_171 to %scan3A_173 step %scan3A_174  : i32 {
      %mul3A_177 = arith.constant 16 : i32
      %mul3A_178 = arith.muli %scan3A_176, %mul3A_177 : i32
      %add3A_179 = arith.constant 0 : i32
      %add3A_180 = arith.addi %mul3A_178, %add3A_179 : i32
      %get3A_181 = arith.index_cast %add3A_180 : i32 to index
      %get3A_182 = arith.constant 0 : index
      %get3A_183 = tpu.vector_load %arg10[%get3A_181, %get3A_182] {strides = array<i32>} : memref<512x64xf32, #tpu.memory_space<vmem>>, vector<16xf32>,
      %add3A_184 = arith.addf %get3A_183, %get3A_129 : vector<16xf32>
      %get3A_185 = arith.index_cast %add3A_180 : i32 to index
      %get3A_186 = arith.constant 0 : index
      %get3A_187 = tpu.vector_load %arg11[%get3A_185, %get3A_186] {strides = array<i32>} : memref<512x64xf32, #tpu.memory_space<vmem>>, vector<16xf32>,
      %add3A_188 = arith.addf %get3A_187, %get3A_129 : vector<16xf32>
      %mul3A_189 = arith.mulf %add3A_184, %add3A_188 : vector<16xf32>
      %get3A_190 = arith.index_cast %add3A_180 : i32 to index
      %get3A_191 = arith.constant 16 : index
      %get3A_192 = tpu.vector_load %arg10[%get3A_190, %get3A_191] {strides = array<i32>} : memref<512x64xf32, #tpu.memory_space<vmem>>, vector<16xf32>,
      %add3A_193 = arith.addf %get3A_192, %get3A_131 : vector<16xf32>
      %get3A_194 = arith.index_cast %add3A_180 : i32 to index
      %get3A_195 = arith.constant 16 : index
      %get3A_196 = tpu.vector_load %arg11[%get3A_194, %get3A_195] {strides = array<i32>} : memref<512x64xf32, #tpu.memory_space<vmem>>, vector<16xf32>,
      %add3A_197 = arith.addf %get3A_196, %get3A_131 : vector<16xf32>
      %mul3A_198 = arith.mulf %add3A_193, %add3A_197 : vector<16xf32>
      %add3A_199 = arith.addf %mul3A_189, %mul3A_198 : vector<16xf32>
      %get3A_200 = arith.index_cast %add3A_180 : i32 to index
      %get3A_201 = arith.constant 32 : index
      %get3A_202 = tpu.vector_load %arg10[%get3A_200, %get3A_201] {strides = array<i32>} : memref<512x64xf32, #tpu.memory_space<vmem>>, vector<16xf32>,
      %add3A_203 = arith.addf %get3A_202, %get3A_133 : vector<16xf32>
      %get3A_204 = arith.index_cast %add3A_180 : i32 to index
      %get3A_205 = arith.constant 32 : index
      %get3A_206 = tpu.vector_load %arg11[%get3A_204, %get3A_205] {strides = array<i32>} : memref<512x64xf32, #tpu.memory_space<vmem>>, vector<16xf32>,
      %add3A_207 = arith.addf %get3A_206, %get3A_133 : vector<16xf32>
      %mul3A_208 = arith.mulf %add3A_203, %add3A_207 : vector<16xf32>
      %add3A_209 = arith.addf %add3A_199, %mul3A_208 : vector<16xf32>
      %get3A_210 = arith.index_cast %add3A_180 : i32 to index
      %get3A_211 = arith.constant 48 : index
      %get3A_212 = tpu.vector_load %arg10[%get3A_210, %get3A_211] {strides = array<i32>} : memref<512x64xf32, #tpu.memory_space<vmem>>, vector<16xf32>,
      %add3A_213 = arith.addf %get3A_212, %get3A_135 : vector<16xf32>
      %get3A_214 = arith.index_cast %add3A_180 : i32 to index
      %get3A_215 = arith.constant 48 : index
      %get3A_216 = tpu.vector_load %arg11[%get3A_214, %get3A_215] {strides = array<i32>} : memref<512x64xf32, #tpu.memory_space<vmem>>, vector<16xf32>,
      %add3A_217 = arith.addf %get3A_216, %get3A_135 : vector<16xf32>
      %mul3A_218 = arith.mulf %add3A_213, %add3A_217 : vector<16xf32>
      %add3A_219 = arith.addf %add3A_209, %mul3A_218 : vector<16xf32>
      %add3A_220 = arith.constant 1 : i32
      %add3A_221 = arith.addi %mul3A_178, %add3A_220 : i32
      %get3A_222 = arith.index_cast %add3A_221 : i32 to index
      %get3A_223 = arith.constant 0 : index
      %get3A_224 = tpu.vector_load %arg10[%get3A_222, %get3A_223] {strides = array<i32>} : memref<512x64xf32, #tpu.memory_space<vmem>>, vector<16xf32>,
      %add3A_225 = arith.addf %get3A_224, %get3A_129 : vector<16xf32>
      %get3A_226 = arith.index_cast %add3A_221 : i32 to index
      %get3A_227 = arith.constant 0 : index
      %get3A_228 = tpu.vector_load %arg11[%get3A_226, %get3A_227] {strides = array<i32>} : memref<512x64xf32, #tpu.memory_space<vmem>>, vector<16xf32>,
      %add3A_229 = arith.addf %get3A_228, %get3A_129 : vector<16xf32>
      %mul3A_230 = arith.mulf %add3A_225, %add3A_229 : vector<16xf32>
      %get3A_231 = arith.index_cast %add3A_221 : i32 to index
      %get3A_232 = arith.constant 16 : index
      %get3A_233 = tpu.vector_load %arg10[%get3A_231, %get3A_232] {strides = array<i32>} : memref<512x64xf32, #tpu.memory_space<vmem>>, vector<16xf32>,
      %add3A_234 = arith.addf %get3A_233, %get3A_131 : vector<16xf32>
      %get3A_235 = arith.index_cast %add3A_221 : i32 to index
      %get3A_236 = arith.constant 16 : index
      %get3A_237 = tpu.vector_load %arg11[%get3A_235, %get3A_236] {strides = array<i32>} : memref<512x64xf32, #tpu.memory_space<vmem>>, vector<16xf32>,
      %add3A_238 = arith.addf %get3A_237, %get3A_131 : vector<16xf32>
      %mul3A_239 = arith.mulf %add3A_234, %add3A_238 : vector<16xf32>
      %add3A_240 = arith.addf %mul3A_230, %mul3A_239 : vector<16xf32>
      %get3A_241 = arith.index_cast %add3A_221 : i32 to index
      %get3A_242 = arith.constant 32 : index
      %get3A_243 = tpu.vector_load %arg10[%get3A_241, %get3A_242] {strides = array<i32>} : memref<512x64xf32, #tpu.memory_space<vmem>>, vector<16xf32>,
      %add3A_244 = arith.addf %get3A_243, %get3A_133 : vector<16xf32>
      %get3A_245 = arith.index_cast %add3A_221 : i32 to index
      %get3A_246 = arith.constant 32 : index
      %get3A_247 = tpu.vector_load %arg11[%get3A_245, %get3A_246] {strides = array<i32>} : memref<512x64xf32, #tpu.memory_space<vmem>>, vector<16xf32>,
      %add3A_248 = arith.addf %get3A_247, %get3A_133 : vector<16xf32>
      %mul3A_249 = arith.mulf %add3A_244, %add3A_248 : vector<16xf32>
      %add3A_250 = arith.addf %add3A_240, %mul3A_249 : vector<16xf32>
      %get3A_251 = arith.index_cast %add3A_221 : i32 to index
      %get3A_252 = arith.constant 48 : index
      %get3A_253 = tpu.vector_load %arg10[%get3A_251, %get3A_252] {strides = array<i32>} : memref<512x64xf32, #tpu.memory_space<vmem>>, vector<16xf32>,
      %add3A_254 = arith.addf %get3A_253, %get3A_135 : vector<16xf32>
      %get3A_255 = arith.index_cast %add3A_221 : i32 to index
      %get3A_256 = arith.constant 48 : index
      %get3A_257 = tpu.vector_load %arg11[%get3A_255, %get3A_256] {strides = array<i32>} : memref<512x64xf32, #tpu.memory_space<vmem>>, vector<16xf32>,
      %add3A_258 = arith.addf %get3A_257, %get3A_135 : vector<16xf32>
      %mul3A_259 = arith.mulf %add3A_254, %add3A_258 : vector<16xf32>
      %add3A_260 = arith.addf %add3A_250, %mul3A_259 : vector<16xf32>
      %add3A_261 = arith.constant 2 : i32
      %add3A_262 = arith.addi %mul3A_178, %add3A_261 : i32
      %get3A_263 = arith.index_cast %add3A_262 : i32 to index
      %get3A_264 = arith.constant 0 : index
      %get3A_265 = tpu.vector_load %arg10[%get3A_263, %get3A_264] {strides = array<i32>} : memref<512x64xf32, #tpu.memory_space<vmem>>, vector<16xf32>,
      %add3A_266 = arith.addf %get3A_265, %get3A_129 : vector<16xf32>
      %get3A_267 = arith.index_cast %add3A_262 : i32 to index
      %get3A_268 = arith.constant 0 : index
      %get3A_269 = tpu.vector_load %arg11[%get3A_267, %get3A_268] {strides = array<i32>} : memref<512x64xf32, #tpu.memory_space<vmem>>, vector<16xf32>,
      %add3A_270 = arith.addf %get3A_269, %get3A_129 : vector<16xf32>
      %mul3A_271 = arith.mulf %add3A_266, %add3A_270 : vector<16xf32>
      %get3A_272 = arith.index_cast %add3A_262 : i32 to index
      %get3A_273 = arith.constant 16 : index
      %get3A_274 = tpu.vector_load %arg10[%get3A_272, %get3A_273] {strides = array<i32>} : memref<512x64xf32, #tpu.memory_space<vmem>>, vector<16xf32>,
      %add3A_275 = arith.addf %get3A_274, %get3A_131 : vector<16xf32>
      %get3A_276 = arith.index_cast %add3A_262 : i32 to index
      %get3A_277 = arith.constant 16 : index
      %get3A_278 = tpu.vector_load %arg11[%get3A_276, %get3A_277] {strides = array<i32>} : memref<512x64xf32, #tpu.memory_space<vmem>>, vector<16xf32>,
      %add3A_279 = arith.addf %get3A_278, %get3A_131 : vector<16xf32>
      %mul3A_280 = arith.mulf %add3A_275, %add3A_279 : vector<16xf32>
      %add3A_281 = arith.addf %mul3A_271, %mul3A_280 : vector<16xf32>
      %get3A_282 = arith.index_cast %add3A_262 : i32 to index
      %get3A_283 = arith.constant 32 : index
      %get3A_284 = tpu.vector_load %arg10[%get3A_282, %get3A_283] {strides = array<i32>} : memref<512x64xf32, #tpu.memory_space<vmem>>, vector<16xf32>,
      %add3A_285 = arith.addf %get3A_284, %get3A_133 : vector<16xf32>
      %get3A_286 = arith.index_cast %add3A_262 : i32 to index
      %get3A_287 = arith.constant 32 : index
      %get3A_288 = tpu.vector_load %arg11[%get3A_286, %get3A_287] {strides = array<i32>} : memref<512x64xf32, #tpu.memory_space<vmem>>, vector<16xf32>,
      %add3A_289 = arith.addf %get3A_288, %get3A_133 : vector<16xf32>
      %mul3A_290 = arith.mulf %add3A_285, %add3A_289 : vector<16xf32>
      %add3A_291 = arith.addf %add3A_281, %mul3A_290 : vector<16xf32>
      %get3A_292 = arith.index_cast %add3A_262 : i32 to index
      %get3A_293 = arith.constant 48 : index
      %get3A_294 = tpu.vector_load %arg10[%get3A_292, %get3A_293] {strides = array<i32>} : memref<512x64xf32, #tpu.memory_space<vmem>>, vector<16xf32>,
      %add3A_295 = arith.addf %get3A_294, %get3A_135 : vector<16xf32>
      %get3A_296 = arith.index_cast %add3A_262 : i32 to index
      %get3A_297 = arith.constant 48 : index
      %get3A_298 = tpu.vector_load %arg11[%get3A_296, %get3A_297] {strides = array<i32>} : memref<512x64xf32, #tpu.memory_space<vmem>>, vector<16xf32>,
      %add3A_299 = arith.addf %get3A_298, %get3A_135 : vector<16xf32>
      %mul3A_300 = arith.mulf %add3A_295, %add3A_299 : vector<16xf32>
      %add3A_301 = arith.addf %add3A_291, %mul3A_300 : vector<16xf32>
      %add3A_302 = arith.constant 3 : i32
      %add3A_303 = arith.addi %mul3A_178, %add3A_302 : i32
      %get3A_304 = arith.index_cast %add3A_303 : i32 to index
      %get3A_305 = arith.constant 0 : index
      %get3A_306 = tpu.vector_load %arg10[%get3A_304, %get3A_305] {strides = array<i32>} : memref<512x64xf32, #tpu.memory_space<vmem>>, vector<16xf32>,
      %add3A_307 = arith.addf %get3A_306, %get3A_129 : vector<16xf32>
      %get3A_308 = arith.index_cast %add3A_303 : i32 to index
      %get3A_309 = arith.constant 0 : index
      %get3A_310 = tpu.vector_load %arg11[%get3A_308, %get3A_309] {strides = array<i32>} : memref<512x64xf32, #tpu.memory_space<vmem>>, vector<16xf32>,
      %add3A_311 = arith.addf %get3A_310, %get3A_129 : vector<16xf32>
      %mul3A_312 = arith.mulf %add3A_307, %add3A_311 : vector<16xf32>
      %get3A_313 = arith.index_cast %add3A_303 : i32 to index
      %get3A_314 = arith.constant 16 : index
      %get3A_315 = tpu.vector_load %arg10[%get3A_313, %get3A_314] {strides = array<i32>} : memref<512x64xf32, #tpu.memory_space<vmem>>, vector<16xf32>,
      %add3A_316 = arith.addf %get3A_315, %get3A_131 : vector<16xf32>
      %get3A_317 = arith.index_cast %add3A_303 : i32 to index
      %get3A_318 = arith.constant 16 : index
      %get3A_319 = tpu.vector_load %arg11[%get3A_317, %get3A_318] {strides = array<i32>} : memref<512x64xf32, #tpu.memory_space<vmem>>, vector<16xf32>,
      %add3A_320 = arith.addf %get3A_319, %get3A_131 : vector<16xf32>
      %mul3A_321 = arith.mulf %add3A_316, %add3A_320 : vector<16xf32>
      %add3A_322 = arith.addf %mul3A_312, %mul3A_321 : vector<16xf32>
      %get3A_323 = arith.index_cast %add3A_303 : i32 to index
      %get3A_324 = arith.constant 32 : index
      %get3A_325 = tpu.vector_load %arg10[%get3A_323, %get3A_324] {strides = array<i32>} : memref<512x64xf32, #tpu.memory_space<vmem>>, vector<16xf32>,
      %add3A_326 = arith.addf %get3A_325, %get3A_133 : vector<16xf32>
      %get3A_327 = arith.index_cast %add3A_303 : i32 to index
      %get3A_328 = arith.constant 32 : index
      %get3A_329 = tpu.vector_load %arg11[%get3A_327, %get3A_328] {strides = array<i32>} : memref<512x64xf32, #tpu.memory_space<vmem>>, vector<16xf32>,
      %add3A_330 = arith.addf %get3A_329, %get3A_133 : vector<16xf32>
      %mul3A_331 = arith.mulf %add3A_326, %add3A_330 : vector<16xf32>
      %add3A_332 = arith.addf %add3A_322, %mul3A_331 : vector<16xf32>
      %get3A_333 = arith.index_cast %add3A_303 : i32 to index
      %get3A_334 = arith.constant 48 : index
      %get3A_335 = tpu.vector_load %arg10[%get3A_333, %get3A_334] {strides = array<i32>} : memref<512x64xf32, #tpu.memory_space<vmem>>, vector<16xf32>,
      %add3A_336 = arith.addf %get3A_335, %get3A_135 : vector<16xf32>
      %get3A_337 = arith.index_cast %add3A_303 : i32 to index
      %get3A_338 = arith.constant 48 : index
      %get3A_339 = tpu.vector_load %arg11[%get3A_337, %get3A_338] {strides = array<i32>} : memref<512x64xf32, #tpu.memory_space<vmem>>, vector<16xf32>,
      %add3A_340 = arith.addf %get3A_339, %get3A_135 : vector<16xf32>
      %mul3A_341 = arith.mulf %add3A_336, %add3A_340 : vector<16xf32>
      %add3A_342 = arith.addf %add3A_332, %mul3A_341 : vector<16xf32>
      %add3A_343 = arith.constant 4 : i32
      %add3A_344 = arith.addi %mul3A_178, %add3A_343 : i32
      %get3A_345 = arith.index_cast %add3A_344 : i32 to index
      %get3A_346 = arith.constant 0 : index
      %get3A_347 = tpu.vector_load %arg10[%get3A_345, %get3A_346] {strides = array<i32>} : memref<512x64xf32, #tpu.memory_space<vmem>>, vector<16xf32>,
      %add3A_348 = arith.addf %get3A_347, %get3A_129 : vector<16xf32>
      %get3A_349 = arith.index_cast %add3A_344 : i32 to index
      %get3A_350 = arith.constant 0 : index
      %get3A_351 = tpu.vector_load %arg11[%get3A_349, %get3A_350] {strides = array<i32>} : memref<512x64xf32, #tpu.memory_space<vmem>>, vector<16xf32>,
      %add3A_352 = arith.addf %get3A_351, %get3A_129 : vector<16xf32>
      %mul3A_353 = arith.mulf %add3A_348, %add3A_352 : vector<16xf32>
      %get3A_354 = arith.index_cast %add3A_344 : i32 to index
      %get3A_355 = arith.constant 16 : index
      %get3A_356 = tpu.vector_load %arg10[%get3A_354, %get3A_355] {strides = array<i32>} : memref<512x64xf32, #tpu.memory_space<vmem>>, vector<16xf32>,
      %add3A_357 = arith.addf %get3A_356, %get3A_131 : vector<16xf32>
      %get3A_358 = arith.index_cast %add3A_344 : i32 to index
      %get3A_359 = arith.constant 16 : index
      %get3A_360 = tpu.vector_load %arg11[%get3A_358, %get3A_359] {strides = array<i32>} : memref<512x64xf32, #tpu.memory_space<vmem>>, vector<16xf32>,
      %add3A_361 = arith.addf %get3A_360, %get3A_131 : vector<16xf32>
      %mul3A_362 = arith.mulf %add3A_357, %add3A_361 : vector<16xf32>
      %add3A_363 = arith.addf %mul3A_353, %mul3A_362 : vector<16xf32>
      %get3A_364 = arith.index_cast %add3A_344 : i32 to index
      %get3A_365 = arith.constant 32 : index
      %get3A_366 = tpu.vector_load %arg10[%get3A_364, %get3A_365] {strides = array<i32>} : memref<512x64xf32, #tpu.memory_space<vmem>>, vector<16xf32>,
      %add3A_367 = arith.addf %get3A_366, %get3A_133 : vector<16xf32>
      %get3A_368 = arith.index_cast %add3A_344 : i32 to index
      %get3A_369 = arith.constant 32 : index
      %get3A_370 = tpu.vector_load %arg11[%get3A_368, %get3A_369] {strides = array<i32>} : memref<512x64xf32, #tpu.memory_space<vmem>>, vector<16xf32>,
      %add3A_371 = arith.addf %get3A_370, %get3A_133 : vector<16xf32>
      %mul3A_372 = arith.mulf %add3A_367, %add3A_371 : vector<16xf32>
      %add3A_373 = arith.addf %add3A_363, %mul3A_372 : vector<16xf32>
      %get3A_374 = arith.index_cast %add3A_344 : i32 to index
      %get3A_375 = arith.constant 48 : index
      %get3A_376 = tpu.vector_load %arg10[%get3A_374, %get3A_375] {strides = array<i32>} : memref<512x64xf32, #tpu.memory_space<vmem>>, vector<16xf32>,
      %add3A_377 = arith.addf %get3A_376, %get3A_135 : vector<16xf32>
      %get3A_378 = arith.index_cast %add3A_344 : i32 to index
      %get3A_379 = arith.constant 48 : index
      %get3A_380 = tpu.vector_load %arg11[%get3A_378, %get3A_379] {strides = array<i32>} : memref<512x64xf32, #tpu.memory_space<vmem>>, vector<16xf32>,
      %add3A_381 = arith.addf %get3A_380, %get3A_135 : vector<16xf32>
      %mul3A_382 = arith.mulf %add3A_377, %add3A_381 : vector<16xf32>
      %add3A_383 = arith.addf %add3A_373, %mul3A_382 : vector<16xf32>
      %add3A_384 = arith.constant 5 : i32
      %add3A_385 = arith.addi %mul3A_178, %add3A_384 : i32
      %get3A_386 = arith.index_cast %add3A_385 : i32 to index
      %get3A_387 = arith.constant 0 : index
      %get3A_388 = tpu.vector_load %arg10[%get3A_386, %get3A_387] {strides = array<i32>} : memref<512x64xf32, #tpu.memory_space<vmem>>, vector<16xf32>,
      %add3A_389 = arith.addf %get3A_388, %get3A_129 : vector<16xf32>
      %get3A_390 = arith.index_cast %add3A_385 : i32 to index
      %get3A_391 = arith.constant 0 : index
      %get3A_392 = tpu.vector_load %arg11[%get3A_390, %get3A_391] {strides = array<i32>} : memref<512x64xf32, #tpu.memory_space<vmem>>, vector<16xf32>,
      %add3A_393 = arith.addf %get3A_392, %get3A_129 : vector<16xf32>
      %mul3A_394 = arith.mulf %add3A_389, %add3A_393 : vector<16xf32>
      %get3A_395 = arith.index_cast %add3A_385 : i32 to index
      %get3A_396 = arith.constant 16 : index
      %get3A_397 = tpu.vector_load %arg10[%get3A_395, %get3A_396] {strides = array<i32>} : memref<512x64xf32, #tpu.memory_space<vmem>>, vector<16xf32>,
      %add3A_398 = arith.addf %get3A_397, %get3A_131 : vector<16xf32>
      %get3A_399 = arith.index_cast %add3A_385 : i32 to index
      %get3A_400 = arith.constant 16 : index
      %get3A_401 = tpu.vector_load %arg11[%get3A_399, %get3A_400] {strides = array<i32>} : memref<512x64xf32, #tpu.memory_space<vmem>>, vector<16xf32>,
      %add3A_402 = arith.addf %get3A_401, %get3A_131 : vector<16xf32>
      %mul3A_403 = arith.mulf %add3A_398, %add3A_402 : vector<16xf32>
      %add3A_404 = arith.addf %mul3A_394, %mul3A_403 : vector<16xf32>
      %get3A_405 = arith.index_cast %add3A_385 : i32 to index
      %get3A_406 = arith.constant 32 : index
      %get3A_407 = tpu.vector_load %arg10[%get3A_405, %get3A_406] {strides = array<i32>} : memref<512x64xf32, #tpu.memory_space<vmem>>, vector<16xf32>,
      %add3A_408 = arith.addf %get3A_407, %get3A_133 : vector<16xf32>
      %get3A_409 = arith.index_cast %add3A_385 : i32 to index
      %get3A_410 = arith.constant 32 : index
      %get3A_411 = tpu.vector_load %arg11[%get3A_409, %get3A_410] {strides = array<i32>} : memref<512x64xf32, #tpu.memory_space<vmem>>, vector<16xf32>,
      %add3A_412 = arith.addf %get3A_411, %get3A_133 : vector<16xf32>
      %mul3A_413 = arith.mulf %add3A_408, %add3A_412 : vector<16xf32>
      %add3A_414 = arith.addf %add3A_404, %mul3A_413 : vector<16xf32>
      %get3A_415 = arith.index_cast %add3A_385 : i32 to index
      %get3A_416 = arith.constant 48 : index
      %get3A_417 = tpu.vector_load %arg10[%get3A_415, %get3A_416] {strides = array<i32>} : memref<512x64xf32, #tpu.memory_space<vmem>>, vector<16xf32>,
      %add3A_418 = arith.addf %get3A_417, %get3A_135 : vector<16xf32>
      %get3A_419 = arith.index_cast %add3A_385 : i32 to index
      %get3A_420 = arith.constant 48 : index
      %get3A_421 = tpu.vector_load %arg11[%get3A_419, %get3A_420] {strides = array<i32>} : memref<512x64xf32, #tpu.memory_space<vmem>>, vector<16xf32>,
      %add3A_422 = arith.addf %get3A_421, %get3A_135 : vector<16xf32>
      %mul3A_423 = arith.mulf %add3A_418, %add3A_422 : vector<16xf32>
      %add3A_424 = arith.addf %add3A_414, %mul3A_423 : vector<16xf32>
      %add3A_425 = arith.constant 6 : i32
      %add3A_426 = arith.addi %mul3A_178, %add3A_425 : i32
      %get3A_427 = arith.index_cast %add3A_426 : i32 to index
      %get3A_428 = arith.constant 0 : index
      %get3A_429 = tpu.vector_load %arg10[%get3A_427, %get3A_428] {strides = array<i32>} : memref<512x64xf32, #tpu.memory_space<vmem>>, vector<16xf32>,
      %add3A_430 = arith.addf %get3A_429, %get3A_129 : vector<16xf32>
      %get3A_431 = arith.index_cast %add3A_426 : i32 to index
      %get3A_432 = arith.constant 0 : index
      %get3A_433 = tpu.vector_load %arg11[%get3A_431, %get3A_432] {strides = array<i32>} : memref<512x64xf32, #tpu.memory_space<vmem>>, vector<16xf32>,
      %add3A_434 = arith.addf %get3A_433, %get3A_129 : vector<16xf32>
      %mul3A_435 = arith.mulf %add3A_430, %add3A_434 : vector<16xf32>
      %get3A_436 = arith.index_cast %add3A_426 : i32 to index
      %get3A_437 = arith.constant 16 : index
      %get3A_438 = tpu.vector_load %arg10[%get3A_436, %get3A_437] {strides = array<i32>} : memref<512x64xf32, #tpu.memory_space<vmem>>, vector<16xf32>,
      %add3A_439 = arith.addf %get3A_438, %get3A_131 : vector<16xf32>
      %get3A_440 = arith.index_cast %add3A_426 : i32 to index
      %get3A_441 = arith.constant 16 : index
      %get3A_442 = tpu.vector_load %arg11[%get3A_440, %get3A_441] {strides = array<i32>} : memref<512x64xf32, #tpu.memory_space<vmem>>, vector<16xf32>,
      %add3A_443 = arith.addf %get3A_442, %get3A_131 : vector<16xf32>
      %mul3A_444 = arith.mulf %add3A_439, %add3A_443 : vector<16xf32>
      %add3A_445 = arith.addf %mul3A_435, %mul3A_444 : vector<16xf32>
      %get3A_446 = arith.index_cast %add3A_426 : i32 to index
      %get3A_447 = arith.constant 32 : index
      %get3A_448 = tpu.vector_load %arg10[%get3A_446, %get3A_447] {strides = array<i32>} : memref<512x64xf32, #tpu.memory_space<vmem>>, vector<16xf32>,
      %add3A_449 = arith.addf %get3A_448, %get3A_133 : vector<16xf32>
      %get3A_450 = arith.index_cast %add3A_426 : i32 to index
      %get3A_451 = arith.constant 32 : index
      %get3A_452 = tpu.vector_load %arg11[%get3A_450, %get3A_451] {strides = array<i32>} : memref<512x64xf32, #tpu.memory_space<vmem>>, vector<16xf32>,
      %add3A_453 = arith.addf %get3A_452, %get3A_133 : vector<16xf32>
      %mul3A_454 = arith.mulf %add3A_449, %add3A_453 : vector<16xf32>
      %add3A_455 = arith.addf %add3A_445, %mul3A_454 : vector<16xf32>
      %get3A_456 = arith.index_cast %add3A_426 : i32 to index
      %get3A_457 = arith.constant 48 : index
      %get3A_458 = tpu.vector_load %arg10[%get3A_456, %get3A_457] {strides = array<i32>} : memref<512x64xf32, #tpu.memory_space<vmem>>, vector<16xf32>,
      %add3A_459 = arith.addf %get3A_458, %get3A_135 : vector<16xf32>
      %get3A_460 = arith.index_cast %add3A_426 : i32 to index
      %get3A_461 = arith.constant 48 : index
      %get3A_462 = tpu.vector_load %arg11[%get3A_460, %get3A_461] {strides = array<i32>} : memref<512x64xf32, #tpu.memory_space<vmem>>, vector<16xf32>,
      %add3A_463 = arith.addf %get3A_462, %get3A_135 : vector<16xf32>
      %mul3A_464 = arith.mulf %add3A_459, %add3A_463 : vector<16xf32>
      %add3A_465 = arith.addf %add3A_455, %mul3A_464 : vector<16xf32>
      %add3A_466 = arith.constant 7 : i32
      %add3A_467 = arith.addi %mul3A_178, %add3A_466 : i32
      %get3A_468 = arith.index_cast %add3A_467 : i32 to index
      %get3A_469 = arith.constant 0 : index
      %get3A_470 = tpu.vector_load %arg10[%get3A_468, %get3A_469] {strides = array<i32>} : memref<512x64xf32, #tpu.memory_space<vmem>>, vector<16xf32>,
      %add3A_471 = arith.addf %get3A_470, %get3A_129 : vector<16xf32>
      %get3A_472 = arith.index_cast %add3A_467 : i32 to index
      %get3A_473 = arith.constant 0 : index
      %get3A_474 = tpu.vector_load %arg11[%get3A_472, %get3A_473] {strides = array<i32>} : memref<512x64xf32, #tpu.memory_space<vmem>>, vector<16xf32>,
      %add3A_475 = arith.addf %get3A_474, %get3A_129 : vector<16xf32>
      %mul3A_476 = arith.mulf %add3A_471, %add3A_475 : vector<16xf32>
      %get3A_477 = arith.index_cast %add3A_467 : i32 to index
      %get3A_478 = arith.constant 16 : index
      %get3A_479 = tpu.vector_load %arg10[%get3A_477, %get3A_478] {strides = array<i32>} : memref<512x64xf32, #tpu.memory_space<vmem>>, vector<16xf32>,
      %add3A_480 = arith.addf %get3A_479, %get3A_131 : vector<16xf32>
      %get3A_481 = arith.index_cast %add3A_467 : i32 to index
      %get3A_482 = arith.constant 16 : index
      %get3A_483 = tpu.vector_load %arg11[%get3A_481, %get3A_482] {strides = array<i32>} : memref<512x64xf32, #tpu.memory_space<vmem>>, vector<16xf32>,
      %add3A_484 = arith.addf %get3A_483, %get3A_131 : vector<16xf32>
      %mul3A_485 = arith.mulf %add3A_480, %add3A_484 : vector<16xf32>
      %add3A_486 = arith.addf %mul3A_476, %mul3A_485 : vector<16xf32>
      %get3A_487 = arith.index_cast %add3A_467 : i32 to index
      %get3A_488 = arith.constant 32 : index
      %get3A_489 = tpu.vector_load %arg10[%get3A_487, %get3A_488] {strides = array<i32>} : memref<512x64xf32, #tpu.memory_space<vmem>>, vector<16xf32>,
      %add3A_490 = arith.addf %get3A_489, %get3A_133 : vector<16xf32>
      %get3A_491 = arith.index_cast %add3A_467 : i32 to index
      %get3A_492 = arith.constant 32 : index
      %get3A_493 = tpu.vector_load %arg11[%get3A_491, %get3A_492] {strides = array<i32>} : memref<512x64xf32, #tpu.memory_space<vmem>>, vector<16xf32>,
      %add3A_494 = arith.addf %get3A_493, %get3A_133 : vector<16xf32>
      %mul3A_495 = arith.mulf %add3A_490, %add3A_494 : vector<16xf32>
      %add3A_496 = arith.addf %add3A_486, %mul3A_495 : vector<16xf32>
      %get3A_497 = arith.index_cast %add3A_467 : i32 to index
      %get3A_498 = arith.constant 48 : index
      %get3A_499 = tpu.vector_load %arg10[%get3A_497, %get3A_498] {strides = array<i32>} : memref<512x64xf32, #tpu.memory_space<vmem>>, vector<16xf32>,
      %add3A_500 = arith.addf %get3A_499, %get3A_135 : vector<16xf32>
      %get3A_501 = arith.index_cast %add3A_467 : i32 to index
      %get3A_502 = arith.constant 48 : index
      %get3A_503 = tpu.vector_load %arg11[%get3A_501, %get3A_502] {strides = array<i32>} : memref<512x64xf32, #tpu.memory_space<vmem>>, vector<16xf32>,
      %add3A_504 = arith.addf %get3A_503, %get3A_135 : vector<16xf32>
      %mul3A_505 = arith.mulf %add3A_500, %add3A_504 : vector<16xf32>
      %add3A_506 = arith.addf %add3A_496, %mul3A_505 : vector<16xf32>
      %add3A_507 = arith.constant 8 : i32
      %add3A_508 = arith.addi %mul3A_178, %add3A_507 : i32
      %get3A_509 = arith.index_cast %add3A_508 : i32 to index
      %get3A_510 = arith.constant 0 : index
      %get3A_511 = tpu.vector_load %arg10[%get3A_509, %get3A_510] {strides = array<i32>} : memref<512x64xf32, #tpu.memory_space<vmem>>, vector<16xf32>,
      %add3A_512 = arith.addf %get3A_511, %get3A_129 : vector<16xf32>
      %get3A_513 = arith.index_cast %add3A_508 : i32 to index
      %get3A_514 = arith.constant 0 : index
      %get3A_515 = tpu.vector_load %arg11[%get3A_513, %get3A_514] {strides = array<i32>} : memref<512x64xf32, #tpu.memory_space<vmem>>, vector<16xf32>,
      %add3A_516 = arith.addf %get3A_515, %get3A_129 : vector<16xf32>
      %mul3A_517 = arith.mulf %add3A_512, %add3A_516 : vector<16xf32>
      %get3A_518 = arith.index_cast %add3A_508 : i32 to index
      %get3A_519 = arith.constant 16 : index
      %get3A_520 = tpu.vector_load %arg10[%get3A_518, %get3A_519] {strides = array<i32>} : memref<512x64xf32, #tpu.memory_space<vmem>>, vector<16xf32>,
      %add3A_521 = arith.addf %get3A_520, %get3A_131 : vector<16xf32>
      %get3A_522 = arith.index_cast %add3A_508 : i32 to index
      %get3A_523 = arith.constant 16 : index
      %get3A_524 = tpu.vector_load %arg11[%get3A_522, %get3A_523] {strides = array<i32>} : memref<512x64xf32, #tpu.memory_space<vmem>>, vector<16xf32>,
      %add3A_525 = arith.addf %get3A_524, %get3A_131 : vector<16xf32>
      %mul3A_526 = arith.mulf %add3A_521, %add3A_525 : vector<16xf32>
      %add3A_527 = arith.addf %mul3A_517, %mul3A_526 : vector<16xf32>
      %get3A_528 = arith.index_cast %add3A_508 : i32 to index
      %get3A_529 = arith.constant 32 : index
      %get3A_530 = tpu.vector_load %arg10[%get3A_528, %get3A_529] {strides = array<i32>} : memref<512x64xf32, #tpu.memory_space<vmem>>, vector<16xf32>,
      %add3A_531 = arith.addf %get3A_530, %get3A_133 : vector<16xf32>
      %get3A_532 = arith.index_cast %add3A_508 : i32 to index
      %get3A_533 = arith.constant 32 : index
      %get3A_534 = tpu.vector_load %arg11[%get3A_532, %get3A_533] {strides = array<i32>} : memref<512x64xf32, #tpu.memory_space<vmem>>, vector<16xf32>,
      %add3A_535 = arith.addf %get3A_534, %get3A_133 : vector<16xf32>
      %mul3A_536 = arith.mulf %add3A_531, %add3A_535 : vector<16xf32>
      %add3A_537 = arith.addf %add3A_527, %mul3A_536 : vector<16xf32>
      %get3A_538 = arith.index_cast %add3A_508 : i32 to index
      %get3A_539 = arith.constant 48 : index
      %get3A_540 = tpu.vector_load %arg10[%get3A_538, %get3A_539] {strides = array<i32>} : memref<512x64xf32, #tpu.memory_space<vmem>>, vector<16xf32>,
      %add3A_541 = arith.addf %get3A_540, %get3A_135 : vector<16xf32>
      %get3A_542 = arith.index_cast %add3A_508 : i32 to index
      %get3A_543 = arith.constant 48 : index
      %get3A_544 = tpu.vector_load %arg11[%get3A_542, %get3A_543] {strides = array<i32>} : memref<512x64xf32, #tpu.memory_space<vmem>>, vector<16xf32>,
      %add3A_545 = arith.addf %get3A_544, %get3A_135 : vector<16xf32>
      %mul3A_546 = arith.mulf %add3A_541, %add3A_545 : vector<16xf32>
      %add3A_547 = arith.addf %add3A_537, %mul3A_546 : vector<16xf32>
      %add3A_548 = arith.constant 9 : i32
      %add3A_549 = arith.addi %mul3A_178, %add3A_548 : i32
      %get3A_550 = arith.index_cast %add3A_549 : i32 to index
      %get3A_551 = arith.constant 0 : index
      %get3A_552 = tpu.vector_load %arg10[%get3A_550, %get3A_551] {strides = array<i32>} : memref<512x64xf32, #tpu.memory_space<vmem>>, vector<16xf32>,
      %add3A_553 = arith.addf %get3A_552, %get3A_129 : vector<16xf32>
      %get3A_554 = arith.index_cast %add3A_549 : i32 to index
      %get3A_555 = arith.constant 0 : index
      %get3A_556 = tpu.vector_load %arg11[%get3A_554, %get3A_555] {strides = array<i32>} : memref<512x64xf32, #tpu.memory_space<vmem>>, vector<16xf32>,
      %add3A_557 = arith.addf %get3A_556, %get3A_129 : vector<16xf32>
      %mul3A_558 = arith.mulf %add3A_553, %add3A_557 : vector<16xf32>
      %get3A_559 = arith.index_cast %add3A_549 : i32 to index
      %get3A_560 = arith.constant 16 : index
      %get3A_561 = tpu.vector_load %arg10[%get3A_559, %get3A_560] {strides = array<i32>} : memref<512x64xf32, #tpu.memory_space<vmem>>, vector<16xf32>,
      %add3A_562 = arith.addf %get3A_561, %get3A_131 : vector<16xf32>
      %get3A_563 = arith.index_cast %add3A_549 : i32 to index
      %get3A_564 = arith.constant 16 : index
      %get3A_565 = tpu.vector_load %arg11[%get3A_563, %get3A_564] {strides = array<i32>} : memref<512x64xf32, #tpu.memory_space<vmem>>, vector<16xf32>,
      %add3A_566 = arith.addf %get3A_565, %get3A_131 : vector<16xf32>
      %mul3A_567 = arith.mulf %add3A_562, %add3A_566 : vector<16xf32>
      %add3A_568 = arith.addf %mul3A_558, %mul3A_567 : vector<16xf32>
      %get3A_569 = arith.index_cast %add3A_549 : i32 to index
      %get3A_570 = arith.constant 32 : index
      %get3A_571 = tpu.vector_load %arg10[%get3A_569, %get3A_570] {strides = array<i32>} : memref<512x64xf32, #tpu.memory_space<vmem>>, vector<16xf32>,
      %add3A_572 = arith.addf %get3A_571, %get3A_133 : vector<16xf32>
      %get3A_573 = arith.index_cast %add3A_549 : i32 to index
      %get3A_574 = arith.constant 32 : index
      %get3A_575 = tpu.vector_load %arg11[%get3A_573, %get3A_574] {strides = array<i32>} : memref<512x64xf32, #tpu.memory_space<vmem>>, vector<16xf32>,
      %add3A_576 = arith.addf %get3A_575, %get3A_133 : vector<16xf32>
      %mul3A_577 = arith.mulf %add3A_572, %add3A_576 : vector<16xf32>
      %add3A_578 = arith.addf %add3A_568, %mul3A_577 : vector<16xf32>
      %get3A_579 = arith.index_cast %add3A_549 : i32 to index
      %get3A_580 = arith.constant 48 : index
      %get3A_581 = tpu.vector_load %arg10[%get3A_579, %get3A_580] {strides = array<i32>} : memref<512x64xf32, #tpu.memory_space<vmem>>, vector<16xf32>,
      %add3A_582 = arith.addf %get3A_581, %get3A_135 : vector<16xf32>
      %get3A_583 = arith.index_cast %add3A_549 : i32 to index
      %get3A_584 = arith.constant 48 : index
      %get3A_585 = tpu.vector_load %arg11[%get3A_583, %get3A_584] {strides = array<i32>} : memref<512x64xf32, #tpu.memory_space<vmem>>, vector<16xf32>,
      %add3A_586 = arith.addf %get3A_585, %get3A_135 : vector<16xf32>
      %mul3A_587 = arith.mulf %add3A_582, %add3A_586 : vector<16xf32>
      %add3A_588 = arith.addf %add3A_578, %mul3A_587 : vector<16xf32>
      %add3A_589 = arith.constant 10 : i32
      %add3A_590 = arith.addi %mul3A_178, %add3A_589 : i32
      %get3A_591 = arith.index_cast %add3A_590 : i32 to index
      %get3A_592 = arith.constant 0 : index
      %get3A_593 = tpu.vector_load %arg10[%get3A_591, %get3A_592] {strides = array<i32>} : memref<512x64xf32, #tpu.memory_space<vmem>>, vector<16xf32>,
      %add3A_594 = arith.addf %get3A_593, %get3A_129 : vector<16xf32>
      %get3A_595 = arith.index_cast %add3A_590 : i32 to index
      %get3A_596 = arith.constant 0 : index
      %get3A_597 = tpu.vector_load %arg11[%get3A_595, %get3A_596] {strides = array<i32>} : memref<512x64xf32, #tpu.memory_space<vmem>>, vector<16xf32>,
      %add3A_598 = arith.addf %get3A_597, %get3A_129 : vector<16xf32>
      %mul3A_599 = arith.mulf %add3A_594, %add3A_598 : vector<16xf32>
      %get3A_600 = arith.index_cast %add3A_590 : i32 to index
      %get3A_601 = arith.constant 16 : index
      %get3A_602 = tpu.vector_load %arg10[%get3A_600, %get3A_601] {strides = array<i32>} : memref<512x64xf32, #tpu.memory_space<vmem>>, vector<16xf32>,
      %add3A_603 = arith.addf %get3A_602, %get3A_131 : vector<16xf32>
      %get3A_604 = arith.index_cast %add3A_590 : i32 to index
      %get3A_605 = arith.constant 16 : index
      %get3A_606 = tpu.vector_load %arg11[%get3A_604, %get3A_605] {strides = array<i32>} : memref<512x64xf32, #tpu.memory_space<vmem>>, vector<16xf32>,
      %add3A_607 = arith.addf %get3A_606, %get3A_131 : vector<16xf32>
      %mul3A_608 = arith.mulf %add3A_603, %add3A_607 : vector<16xf32>
      %add3A_609 = arith.addf %mul3A_599, %mul3A_608 : vector<16xf32>
      %get3A_610 = arith.index_cast %add3A_590 : i32 to index
      %get3A_611 = arith.constant 32 : index
      %get3A_612 = tpu.vector_load %arg10[%get3A_610, %get3A_611] {strides = array<i32>} : memref<512x64xf32, #tpu.memory_space<vmem>>, vector<16xf32>,
      %add3A_613 = arith.addf %get3A_612, %get3A_133 : vector<16xf32>
      %get3A_614 = arith.index_cast %add3A_590 : i32 to index
      %get3A_615 = arith.constant 32 : index
      %get3A_616 = tpu.vector_load %arg11[%get3A_614, %get3A_615] {strides = array<i32>} : memref<512x64xf32, #tpu.memory_space<vmem>>, vector<16xf32>,
      %add3A_617 = arith.addf %get3A_616, %get3A_133 : vector<16xf32>
      %mul3A_618 = arith.mulf %add3A_613, %add3A_617 : vector<16xf32>
      %add3A_619 = arith.addf %add3A_609, %mul3A_618 : vector<16xf32>
      %get3A_620 = arith.index_cast %add3A_590 : i32 to index
      %get3A_621 = arith.constant 48 : index
      %get3A_622 = tpu.vector_load %arg10[%get3A_620, %get3A_621] {strides = array<i32>} : memref<512x64xf32, #tpu.memory_space<vmem>>, vector<16xf32>,
      %add3A_623 = arith.addf %get3A_622, %get3A_135 : vector<16xf32>
      %get3A_624 = arith.index_cast %add3A_590 : i32 to index
      %get3A_625 = arith.constant 48 : index
      %get3A_626 = tpu.vector_load %arg11[%get3A_624, %get3A_625] {strides = array<i32>} : memref<512x64xf32, #tpu.memory_space<vmem>>, vector<16xf32>,
      %add3A_627 = arith.addf %get3A_626, %get3A_135 : vector<16xf32>
      %mul3A_628 = arith.mulf %add3A_623, %add3A_627 : vector<16xf32>
      %add3A_629 = arith.addf %add3A_619, %mul3A_628 : vector<16xf32>
      %add3A_630 = arith.constant 11 : i32
      %add3A_631 = arith.addi %mul3A_178, %add3A_630 : i32
      %get3A_632 = arith.index_cast %add3A_631 : i32 to index
      %get3A_633 = arith.constant 0 : index
      %get3A_634 = tpu.vector_load %arg10[%get3A_632, %get3A_633] {strides = array<i32>} : memref<512x64xf32, #tpu.memory_space<vmem>>, vector<16xf32>,
      %add3A_635 = arith.addf %get3A_634, %get3A_129 : vector<16xf32>
      %get3A_636 = arith.index_cast %add3A_631 : i32 to index
      %get3A_637 = arith.constant 0 : index
      %get3A_638 = tpu.vector_load %arg11[%get3A_636, %get3A_637] {strides = array<i32>} : memref<512x64xf32, #tpu.memory_space<vmem>>, vector<16xf32>,
      %add3A_639 = arith.addf %get3A_638, %get3A_129 : vector<16xf32>
      %mul3A_640 = arith.mulf %add3A_635, %add3A_639 : vector<16xf32>
      %get3A_641 = arith.index_cast %add3A_631 : i32 to index
      %get3A_642 = arith.constant 16 : index
      %get3A_643 = tpu.vector_load %arg10[%get3A_641, %get3A_642] {strides = array<i32>} : memref<512x64xf32, #tpu.memory_space<vmem>>, vector<16xf32>,
      %add3A_644 = arith.addf %get3A_643, %get3A_131 : vector<16xf32>
      %get3A_645 = arith.index_cast %add3A_631 : i32 to index
      %get3A_646 = arith.constant 16 : index
      %get3A_647 = tpu.vector_load %arg11[%get3A_645, %get3A_646] {strides = array<i32>} : memref<512x64xf32, #tpu.memory_space<vmem>>, vector<16xf32>,
      %add3A_648 = arith.addf %get3A_647, %get3A_131 : vector<16xf32>
      %mul3A_649 = arith.mulf %add3A_644, %add3A_648 : vector<16xf32>
      %add3A_650 = arith.addf %mul3A_640, %mul3A_649 : vector<16xf32>
      %get3A_651 = arith.index_cast %add3A_631 : i32 to index
      %get3A_652 = arith.constant 32 : index
      %get3A_653 = tpu.vector_load %arg10[%get3A_651, %get3A_652] {strides = array<i32>} : memref<512x64xf32, #tpu.memory_space<vmem>>, vector<16xf32>,
      %add3A_654 = arith.addf %get3A_653, %get3A_133 : vector<16xf32>
      %get3A_655 = arith.index_cast %add3A_631 : i32 to index
      %get3A_656 = arith.constant 32 : index
      %get3A_657 = tpu.vector_load %arg11[%get3A_655, %get3A_656] {strides = array<i32>} : memref<512x64xf32, #tpu.memory_space<vmem>>, vector<16xf32>,
      %add3A_658 = arith.addf %get3A_657, %get3A_133 : vector<16xf32>
      %mul3A_659 = arith.mulf %add3A_654, %add3A_658 : vector<16xf32>
      %add3A_660 = arith.addf %add3A_650, %mul3A_659 : vector<16xf32>
      %get3A_661 = arith.index_cast %add3A_631 : i32 to index
      %get3A_662 = arith.constant 48 : index
      %get3A_663 = tpu.vector_load %arg10[%get3A_661, %get3A_662] {strides = array<i32>} : memref<512x64xf32, #tpu.memory_space<vmem>>, vector<16xf32>,
      %add3A_664 = arith.addf %get3A_663, %get3A_135 : vector<16xf32>
      %get3A_665 = arith.index_cast %add3A_631 : i32 to index
      %get3A_666 = arith.constant 48 : index
      %get3A_667 = tpu.vector_load %arg11[%get3A_665, %get3A_666] {strides = array<i32>} : memref<512x64xf32, #tpu.memory_space<vmem>>, vector<16xf32>,
      %add3A_668 = arith.addf %get3A_667, %get3A_135 : vector<16xf32>
      %mul3A_669 = arith.mulf %add3A_664, %add3A_668 : vector<16xf32>
      %add3A_670 = arith.addf %add3A_660, %mul3A_669 : vector<16xf32>
      %add3A_671 = arith.constant 12 : i32
      %add3A_672 = arith.addi %mul3A_178, %add3A_671 : i32
      %get3A_673 = arith.index_cast %add3A_672 : i32 to index
      %get3A_674 = arith.constant 0 : index
      %get3A_675 = tpu.vector_load %arg10[%get3A_673, %get3A_674] {strides = array<i32>} : memref<512x64xf32, #tpu.memory_space<vmem>>, vector<16xf32>,
      %add3A_676 = arith.addf %get3A_675, %get3A_129 : vector<16xf32>
      %get3A_677 = arith.index_cast %add3A_672 : i32 to index
      %get3A_678 = arith.constant 0 : index
      %get3A_679 = tpu.vector_load %arg11[%get3A_677, %get3A_678] {strides = array<i32>} : memref<512x64xf32, #tpu.memory_space<vmem>>, vector<16xf32>,
      %add3A_680 = arith.addf %get3A_679, %get3A_129 : vector<16xf32>
      %mul3A_681 = arith.mulf %add3A_676, %add3A_680 : vector<16xf32>
      %get3A_682 = arith.index_cast %add3A_672 : i32 to index
      %get3A_683 = arith.constant 16 : index
      %get3A_684 = tpu.vector_load %arg10[%get3A_682, %get3A_683] {strides = array<i32>} : memref<512x64xf32, #tpu.memory_space<vmem>>, vector<16xf32>,
      %add3A_685 = arith.addf %get3A_684, %get3A_131 : vector<16xf32>
      %get3A_686 = arith.index_cast %add3A_672 : i32 to index
      %get3A_687 = arith.constant 16 : index
      %get3A_688 = tpu.vector_load %arg11[%get3A_686, %get3A_687] {strides = array<i32>} : memref<512x64xf32, #tpu.memory_space<vmem>>, vector<16xf32>,
      %add3A_689 = arith.addf %get3A_688, %get3A_131 : vector<16xf32>
      %mul3A_690 = arith.mulf %add3A_685, %add3A_689 : vector<16xf32>
      %add3A_691 = arith.addf %mul3A_681, %mul3A_690 : vector<16xf32>
      %get3A_692 = arith.index_cast %add3A_672 : i32 to index
      %get3A_693 = arith.constant 32 : index
      %get3A_694 = tpu.vector_load %arg10[%get3A_692, %get3A_693] {strides = array<i32>} : memref<512x64xf32, #tpu.memory_space<vmem>>, vector<16xf32>,
      %add3A_695 = arith.addf %get3A_694, %get3A_133 : vector<16xf32>
      %get3A_696 = arith.index_cast %add3A_672 : i32 to index
      %get3A_697 = arith.constant 32 : index
      %get3A_698 = tpu.vector_load %arg11[%get3A_696, %get3A_697] {strides = array<i32>} : memref<512x64xf32, #tpu.memory_space<vmem>>, vector<16xf32>,
      %add3A_699 = arith.addf %get3A_698, %get3A_133 : vector<16xf32>
      %mul3A_700 = arith.mulf %add3A_695, %add3A_699 : vector<16xf32>
      %add3A_701 = arith.addf %add3A_691, %mul3A_700 : vector<16xf32>
      %get3A_702 = arith.index_cast %add3A_672 : i32 to index
      %get3A_703 = arith.constant 48 : index
      %get3A_704 = tpu.vector_load %arg10[%get3A_702, %get3A_703] {strides = array<i32>} : memref<512x64xf32, #tpu.memory_space<vmem>>, vector<16xf32>,
      %add3A_705 = arith.addf %get3A_704, %get3A_135 : vector<16xf32>
      %get3A_706 = arith.index_cast %add3A_672 : i32 to index
      %get3A_707 = arith.constant 48 : index
      %get3A_708 = tpu.vector_load %arg11[%get3A_706, %get3A_707] {strides = array<i32>} : memref<512x64xf32, #tpu.memory_space<vmem>>, vector<16xf32>,
      %add3A_709 = arith.addf %get3A_708, %get3A_135 : vector<16xf32>
      %mul3A_710 = arith.mulf %add3A_705, %add3A_709 : vector<16xf32>
      %add3A_711 = arith.addf %add3A_701, %mul3A_710 : vector<16xf32>
      %add3A_712 = arith.constant 13 : i32
      %add3A_713 = arith.addi %mul3A_178, %add3A_712 : i32
      %get3A_714 = arith.index_cast %add3A_713 : i32 to index
      %get3A_715 = arith.constant 0 : index
      %get3A_716 = tpu.vector_load %arg10[%get3A_714, %get3A_715] {strides = array<i32>} : memref<512x64xf32, #tpu.memory_space<vmem>>, vector<16xf32>,
      %add3A_717 = arith.addf %get3A_716, %get3A_129 : vector<16xf32>
      %get3A_718 = arith.index_cast %add3A_713 : i32 to index
      %get3A_719 = arith.constant 0 : index
      %get3A_720 = tpu.vector_load %arg11[%get3A_718, %get3A_719] {strides = array<i32>} : memref<512x64xf32, #tpu.memory_space<vmem>>, vector<16xf32>,
      %add3A_721 = arith.addf %get3A_720, %get3A_129 : vector<16xf32>
      %mul3A_722 = arith.mulf %add3A_717, %add3A_721 : vector<16xf32>
      %get3A_723 = arith.index_cast %add3A_713 : i32 to index
      %get3A_724 = arith.constant 16 : index
      %get3A_725 = tpu.vector_load %arg10[%get3A_723, %get3A_724] {strides = array<i32>} : memref<512x64xf32, #tpu.memory_space<vmem>>, vector<16xf32>,
      %add3A_726 = arith.addf %get3A_725, %get3A_131 : vector<16xf32>
      %get3A_727 = arith.index_cast %add3A_713 : i32 to index
      %get3A_728 = arith.constant 16 : index
      %get3A_729 = tpu.vector_load %arg11[%get3A_727, %get3A_728] {strides = array<i32>} : memref<512x64xf32, #tpu.memory_space<vmem>>, vector<16xf32>,
      %add3A_730 = arith.addf %get3A_729, %get3A_131 : vector<16xf32>
      %mul3A_731 = arith.mulf %add3A_726, %add3A_730 : vector<16xf32>
      %add3A_732 = arith.addf %mul3A_722, %mul3A_731 : vector<16xf32>
      %get3A_733 = arith.index_cast %add3A_713 : i32 to index
      %get3A_734 = arith.constant 32 : index
      %get3A_735 = tpu.vector_load %arg10[%get3A_733, %get3A_734] {strides = array<i32>} : memref<512x64xf32, #tpu.memory_space<vmem>>, vector<16xf32>,
      %add3A_736 = arith.addf %get3A_735, %get3A_133 : vector<16xf32>
      %get3A_737 = arith.index_cast %add3A_713 : i32 to index
      %get3A_738 = arith.constant 32 : index
      %get3A_739 = tpu.vector_load %arg11[%get3A_737, %get3A_738] {strides = array<i32>} : memref<512x64xf32, #tpu.memory_space<vmem>>, vector<16xf32>,
      %add3A_740 = arith.addf %get3A_739, %get3A_133 : vector<16xf32>
      %mul3A_741 = arith.mulf %add3A_736, %add3A_740 : vector<16xf32>
      %add3A_742 = arith.addf %add3A_732, %mul3A_741 : vector<16xf32>
      %get3A_743 = arith.index_cast %add3A_713 : i32 to index
      %get3A_744 = arith.constant 48 : index
      %get3A_745 = tpu.vector_load %arg10[%get3A_743, %get3A_744] {strides = array<i32>} : memref<512x64xf32, #tpu.memory_space<vmem>>, vector<16xf32>,
      %add3A_746 = arith.addf %get3A_745, %get3A_135 : vector<16xf32>
      %get3A_747 = arith.index_cast %add3A_713 : i32 to index
      %get3A_748 = arith.constant 48 : index
      %get3A_749 = tpu.vector_load %arg11[%get3A_747, %get3A_748] {strides = array<i32>} : memref<512x64xf32, #tpu.memory_space<vmem>>, vector<16xf32>,
      %add3A_750 = arith.addf %get3A_749, %get3A_135 : vector<16xf32>
      %mul3A_751 = arith.mulf %add3A_746, %add3A_750 : vector<16xf32>
      %add3A_752 = arith.addf %add3A_742, %mul3A_751 : vector<16xf32>
      %add3A_753 = arith.constant 14 : i32
      %add3A_754 = arith.addi %mul3A_178, %add3A_753 : i32
      %get3A_755 = arith.index_cast %add3A_754 : i32 to index
      %get3A_756 = arith.constant 0 : index
      %get3A_757 = tpu.vector_load %arg10[%get3A_755, %get3A_756] {strides = array<i32>} : memref<512x64xf32, #tpu.memory_space<vmem>>, vector<16xf32>,
      %add3A_758 = arith.addf %get3A_757, %get3A_129 : vector<16xf32>
      %get3A_759 = arith.index_cast %add3A_754 : i32 to index
      %get3A_760 = arith.constant 0 : index
      %get3A_761 = tpu.vector_load %arg11[%get3A_759, %get3A_760] {strides = array<i32>} : memref<512x64xf32, #tpu.memory_space<vmem>>, vector<16xf32>,
      %add3A_762 = arith.addf %get3A_761, %get3A_129 : vector<16xf32>
      %mul3A_763 = arith.mulf %add3A_758, %add3A_762 : vector<16xf32>
      %get3A_764 = arith.index_cast %add3A_754 : i32 to index
      %get3A_765 = arith.constant 16 : index
      %get3A_766 = tpu.vector_load %arg10[%get3A_764, %get3A_765] {strides = array<i32>} : memref<512x64xf32, #tpu.memory_space<vmem>>, vector<16xf32>,
      %add3A_767 = arith.addf %get3A_766, %get3A_131 : vector<16xf32>
      %get3A_768 = arith.index_cast %add3A_754 : i32 to index
      %get3A_769 = arith.constant 16 : index
      %get3A_770 = tpu.vector_load %arg11[%get3A_768, %get3A_769] {strides = array<i32>} : memref<512x64xf32, #tpu.memory_space<vmem>>, vector<16xf32>,
      %add3A_771 = arith.addf %get3A_770, %get3A_131 : vector<16xf32>
      %mul3A_772 = arith.mulf %add3A_767, %add3A_771 : vector<16xf32>
      %add3A_773 = arith.addf %mul3A_763, %mul3A_772 : vector<16xf32>
      %get3A_774 = arith.index_cast %add3A_754 : i32 to index
      %get3A_775 = arith.constant 32 : index
      %get3A_776 = tpu.vector_load %arg10[%get3A_774, %get3A_775] {strides = array<i32>} : memref<512x64xf32, #tpu.memory_space<vmem>>, vector<16xf32>,
      %add3A_777 = arith.addf %get3A_776, %get3A_133 : vector<16xf32>
      %get3A_778 = arith.index_cast %add3A_754 : i32 to index
      %get3A_779 = arith.constant 32 : index
      %get3A_780 = tpu.vector_load %arg11[%get3A_778, %get3A_779] {strides = array<i32>} : memref<512x64xf32, #tpu.memory_space<vmem>>, vector<16xf32>,
      %add3A_781 = arith.addf %get3A_780, %get3A_133 : vector<16xf32>
      %mul3A_782 = arith.mulf %add3A_777, %add3A_781 : vector<16xf32>
      %add3A_783 = arith.addf %add3A_773, %mul3A_782 : vector<16xf32>
      %get3A_784 = arith.index_cast %add3A_754 : i32 to index
      %get3A_785 = arith.constant 48 : index
      %get3A_786 = tpu.vector_load %arg10[%get3A_784, %get3A_785] {strides = array<i32>} : memref<512x64xf32, #tpu.memory_space<vmem>>, vector<16xf32>,
      %add3A_787 = arith.addf %get3A_786, %get3A_135 : vector<16xf32>
      %get3A_788 = arith.index_cast %add3A_754 : i32 to index
      %get3A_789 = arith.constant 48 : index
      %get3A_790 = tpu.vector_load %arg11[%get3A_788, %get3A_789] {strides = array<i32>} : memref<512x64xf32, #tpu.memory_space<vmem>>, vector<16xf32>,
      %add3A_791 = arith.addf %get3A_790, %get3A_135 : vector<16xf32>
      %mul3A_792 = arith.mulf %add3A_787, %add3A_791 : vector<16xf32>
      %add3A_793 = arith.addf %add3A_783, %mul3A_792 : vector<16xf32>
      %add3A_794 = arith.constant 15 : i32
      %add3A_795 = arith.addi %mul3A_178, %add3A_794 : i32
      %get3A_796 = arith.index_cast %add3A_795 : i32 to index
      %get3A_797 = arith.constant 0 : index
      %get3A_798 = tpu.vector_load %arg10[%get3A_796, %get3A_797] {strides = array<i32>} : memref<512x64xf32, #tpu.memory_space<vmem>>, vector<16xf32>,
      %add3A_799 = arith.addf %get3A_798, %get3A_129 : vector<16xf32>
      %get3A_800 = arith.index_cast %add3A_795 : i32 to index
      %get3A_801 = arith.constant 0 : index
      %get3A_802 = tpu.vector_load %arg11[%get3A_800, %get3A_801] {strides = array<i32>} : memref<512x64xf32, #tpu.memory_space<vmem>>, vector<16xf32>,
      %add3A_803 = arith.addf %get3A_802, %get3A_129 : vector<16xf32>
      %mul3A_804 = arith.mulf %add3A_799, %add3A_803 : vector<16xf32>
      %get3A_805 = arith.index_cast %add3A_795 : i32 to index
      %get3A_806 = arith.constant 16 : index
      %get3A_807 = tpu.vector_load %arg10[%get3A_805, %get3A_806] {strides = array<i32>} : memref<512x64xf32, #tpu.memory_space<vmem>>, vector<16xf32>,
      %add3A_808 = arith.addf %get3A_807, %get3A_131 : vector<16xf32>
      %get3A_809 = arith.index_cast %add3A_795 : i32 to index
      %get3A_810 = arith.constant 16 : index
      %get3A_811 = tpu.vector_load %arg11[%get3A_809, %get3A_810] {strides = array<i32>} : memref<512x64xf32, #tpu.memory_space<vmem>>, vector<16xf32>,
      %add3A_812 = arith.addf %get3A_811, %get3A_131 : vector<16xf32>
      %mul3A_813 = arith.mulf %add3A_808, %add3A_812 : vector<16xf32>
      %add3A_814 = arith.addf %mul3A_804, %mul3A_813 : vector<16xf32>
      %get3A_815 = arith.index_cast %add3A_795 : i32 to index
      %get3A_816 = arith.constant 32 : index
      %get3A_817 = tpu.vector_load %arg10[%get3A_815, %get3A_816] {strides = array<i32>} : memref<512x64xf32, #tpu.memory_space<vmem>>, vector<16xf32>,
      %add3A_818 = arith.addf %get3A_817, %get3A_133 : vector<16xf32>
      %get3A_819 = arith.index_cast %add3A_795 : i32 to index
      %get3A_820 = arith.constant 32 : index
      %get3A_821 = tpu.vector_load %arg11[%get3A_819, %get3A_820] {strides = array<i32>} : memref<512x64xf32, #tpu.memory_space<vmem>>, vector<16xf32>,
      %add3A_822 = arith.addf %get3A_821, %get3A_133 : vector<16xf32>
      %mul3A_823 = arith.mulf %add3A_818, %add3A_822 : vector<16xf32>
      %add3A_824 = arith.addf %add3A_814, %mul3A_823 : vector<16xf32>
      %get3A_825 = arith.index_cast %add3A_795 : i32 to index
      %get3A_826 = arith.constant 48 : index
      %get3A_827 = tpu.vector_load %arg10[%get3A_825, %get3A_826] {strides = array<i32>} : memref<512x64xf32, #tpu.memory_space<vmem>>, vector<16xf32>,
      %add3A_828 = arith.addf %get3A_827, %get3A_135 : vector<16xf32>
      %get3A_829 = arith.index_cast %add3A_795 : i32 to index
      %get3A_830 = arith.constant 48 : index
      %get3A_831 = tpu.vector_load %arg11[%get3A_829, %get3A_830] {strides = array<i32>} : memref<512x64xf32, #tpu.memory_space<vmem>>, vector<16xf32>,
      %add3A_832 = arith.addf %get3A_831, %get3A_135 : vector<16xf32>
      %mul3A_833 = arith.mulf %add3A_828, %add3A_832 : vector<16xf32>
      %add3A_834 = arith.addf %add3A_824, %mul3A_833 : vector<16xf32>
      %select_n3A = arith.select %eq3A_152, %add3A_219, %add3A_260 : vector<16xi1>, vector<16xf32>
      %select_n3A_835 = arith.select %eq3A_152, %add3A_260, %add3A_219 : vector<16xi1>, vector<16xf32>
      %lt3A = arith.constant 0 : i32
      %lt3A_836 = vector.broadcast %lt3A : i32 to vector<16xi32>
      %lt3A_837 = arith.cmpi slt, %xor3A_139, %lt3A_836 : vector<16xi32>
      %add3A_838 = arith.constant 16 : i32
      %add3A_839 = vector.broadcast %add3A_838 : i32 to vector<16xi32>
      %add3A_840 = arith.addi %xor3A_139, %add3A_839 : vector<16xi32>
      %select_n3A_841 = arith.select %lt3A_837, %add3A_840, %xor3A_139 : vector<16xi1>, vector<16xi32>
      %reshape3A = vector.shape_cast %select_n3A_841 : vector<16xi32> to vector<16x1xi32>
      %gather3A = vector.shape_cast %reshape3A : vector<16x1xi32> to vector<16xi32>
      %gather3A_842 = tpu.dynamic_gather %select_n3A_835[%gather3A] in [0] : vector<16xf32>, vector<16xi32> -> vector<16xf32>
      %add3A_843 = arith.addf %select_n3A, %gather3A_842 : vector<16xf32>
      %select_n3A_844 = arith.select %eq3A_152, %add3A_301, %add3A_342 : vector<16xi1>, vector<16xf32>
      %select_n3A_845 = arith.select %eq3A_152, %add3A_342, %add3A_301 : vector<16xi1>, vector<16xf32>
      %lt3A_846 = arith.constant 0 : i32
      %lt3A_847 = vector.broadcast %lt3A_846 : i32 to vector<16xi32>
      %lt3A_848 = arith.cmpi slt, %xor3A_139, %lt3A_847 : vector<16xi32>
      %add3A_849 = arith.constant 16 : i32
      %add3A_850 = vector.broadcast %add3A_849 : i32 to vector<16xi32>
      %add3A_851 = arith.addi %xor3A_139, %add3A_850 : vector<16xi32>
      %select_n3A_852 = arith.select %lt3A_848, %add3A_851, %xor3A_139 : vector<16xi1>, vector<16xi32>
      %reshape3A_853 = vector.shape_cast %select_n3A_852 : vector<16xi32> to vector<16x1xi32>
      %gather3A_854 = vector.shape_cast %reshape3A_853 : vector<16x1xi32> to vector<16xi32>
      %gather3A_855 = tpu.dynamic_gather %select_n3A_845[%gather3A_854] in [0] : vector<16xf32>, vector<16xi32> -> vector<16xf32>
      %add3A_856 = arith.addf %select_n3A_844, %gather3A_855 : vector<16xf32>
      %select_n3A_857 = arith.select %eq3A_152, %add3A_383, %add3A_424 : vector<16xi1>, vector<16xf32>
      %select_n3A_858 = arith.select %eq3A_152, %add3A_424, %add3A_383 : vector<16xi1>, vector<16xf32>
      %lt3A_859 = arith.constant 0 : i32
      %lt3A_860 = vector.broadcast %lt3A_859 : i32 to vector<16xi32>
      %lt3A_861 = arith.cmpi slt, %xor3A_139, %lt3A_860 : vector<16xi32>
      %add3A_862 = arith.constant 16 : i32
      %add3A_863 = vector.broadcast %add3A_862 : i32 to vector<16xi32>
      %add3A_864 = arith.addi %xor3A_139, %add3A_863 : vector<16xi32>
      %select_n3A_865 = arith.select %lt3A_861, %add3A_864, %xor3A_139 : vector<16xi1>, vector<16xi32>
      %reshape3A_866 = vector.shape_cast %select_n3A_865 : vector<16xi32> to vector<16x1xi32>
      %gather3A_867 = vector.shape_cast %reshape3A_866 : vector<16x1xi32> to vector<16xi32>
      %gather3A_868 = tpu.dynamic_gather %select_n3A_858[%gather3A_867] in [0] : vector<16xf32>, vector<16xi32> -> vector<16xf32>
      %add3A_869 = arith.addf %select_n3A_857, %gather3A_868 : vector<16xf32>
      %select_n3A_870 = arith.select %eq3A_152, %add3A_465, %add3A_506 : vector<16xi1>, vector<16xf32>
      %select_n3A_871 = arith.select %eq3A_152, %add3A_506, %add3A_465 : vector<16xi1>, vector<16xf32>
      %lt3A_872 = arith.constant 0 : i32
      %lt3A_873 = vector.broadcast %lt3A_872 : i32 to vector<16xi32>
      %lt3A_874 = arith.cmpi slt, %xor3A_139, %lt3A_873 : vector<16xi32>
      %add3A_875 = arith.constant 16 : i32
      %add3A_876 = vector.broadcast %add3A_875 : i32 to vector<16xi32>
      %add3A_877 = arith.addi %xor3A_139, %add3A_876 : vector<16xi32>
      %select_n3A_878 = arith.select %lt3A_874, %add3A_877, %xor3A_139 : vector<16xi1>, vector<16xi32>
      %reshape3A_879 = vector.shape_cast %select_n3A_878 : vector<16xi32> to vector<16x1xi32>
      %gather3A_880 = vector.shape_cast %reshape3A_879 : vector<16x1xi32> to vector<16xi32>
      %gather3A_881 = tpu.dynamic_gather %select_n3A_871[%gather3A_880] in [0] : vector<16xf32>, vector<16xi32> -> vector<16xf32>
      %add3A_882 = arith.addf %select_n3A_870, %gather3A_881 : vector<16xf32>
      %select_n3A_883 = arith.select %eq3A_152, %add3A_547, %add3A_588 : vector<16xi1>, vector<16xf32>
      %select_n3A_884 = arith.select %eq3A_152, %add3A_588, %add3A_547 : vector<16xi1>, vector<16xf32>
      %lt3A_885 = arith.constant 0 : i32
      %lt3A_886 = vector.broadcast %lt3A_885 : i32 to vector<16xi32>
      %lt3A_887 = arith.cmpi slt, %xor3A_139, %lt3A_886 : vector<16xi32>
      %add3A_888 = arith.constant 16 : i32
      %add3A_889 = vector.broadcast %add3A_888 : i32 to vector<16xi32>
      %add3A_890 = arith.addi %xor3A_139, %add3A_889 : vector<16xi32>
      %select_n3A_891 = arith.select %lt3A_887, %add3A_890, %xor3A_139 : vector<16xi1>, vector<16xi32>
      %reshape3A_892 = vector.shape_cast %select_n3A_891 : vector<16xi32> to vector<16x1xi32>
      %gather3A_893 = vector.shape_cast %reshape3A_892 : vector<16x1xi32> to vector<16xi32>
      %gather3A_894 = tpu.dynamic_gather %select_n3A_884[%gather3A_893] in [0] : vector<16xf32>, vector<16xi32> -> vector<16xf32>
      %add3A_895 = arith.addf %select_n3A_883, %gather3A_894 : vector<16xf32>
      %select_n3A_896 = arith.select %eq3A_152, %add3A_629, %add3A_670 : vector<16xi1>, vector<16xf32>
      %select_n3A_897 = arith.select %eq3A_152, %add3A_670, %add3A_629 : vector<16xi1>, vector<16xf32>
      %lt3A_898 = arith.constant 0 : i32
      %lt3A_899 = vector.broadcast %lt3A_898 : i32 to vector<16xi32>
      %lt3A_900 = arith.cmpi slt, %xor3A_139, %lt3A_899 : vector<16xi32>
      %add3A_901 = arith.constant 16 : i32
      %add3A_902 = vector.broadcast %add3A_901 : i32 to vector<16xi32>
      %add3A_903 = arith.addi %xor3A_139, %add3A_902 : vector<16xi32>
      %select_n3A_904 = arith.select %lt3A_900, %add3A_903, %xor3A_139 : vector<16xi1>, vector<16xi32>
      %reshape3A_905 = vector.shape_cast %select_n3A_904 : vector<16xi32> to vector<16x1xi32>
      %gather3A_906 = vector.shape_cast %reshape3A_905 : vector<16x1xi32> to vector<16xi32>
      %gather3A_907 = tpu.dynamic_gather %select_n3A_897[%gather3A_906] in [0] : vector<16xf32>, vector<16xi32> -> vector<16xf32>
      %add3A_908 = arith.addf %select_n3A_896, %gather3A_907 : vector<16xf32>
      %select_n3A_909 = arith.select %eq3A_152, %add3A_711, %add3A_752 : vector<16xi1>, vector<16xf32>
      %select_n3A_910 = arith.select %eq3A_152, %add3A_752, %add3A_711 : vector<16xi1>, vector<16xf32>
      %lt3A_911 = arith.constant 0 : i32
      %lt3A_912 = vector.broadcast %lt3A_911 : i32 to vector<16xi32>
      %lt3A_913 = arith.cmpi slt, %xor3A_139, %lt3A_912 : vector<16xi32>
      %add3A_914 = arith.constant 16 : i32
      %add3A_915 = vector.broadcast %add3A_914 : i32 to vector<16xi32>
      %add3A_916 = arith.addi %xor3A_139, %add3A_915 : vector<16xi32>
      %select_n3A_917 = arith.select %lt3A_913, %add3A_916, %xor3A_139 : vector<16xi1>, vector<16xi32>
      %reshape3A_918 = vector.shape_cast %select_n3A_917 : vector<16xi32> to vector<16x1xi32>
      %gather3A_919 = vector.shape_cast %reshape3A_918 : vector<16x1xi32> to vector<16xi32>
      %gather3A_920 = tpu.dynamic_gather %select_n3A_910[%gather3A_919] in [0] : vector<16xf32>, vector<16xi32> -> vector<16xf32>
      %add3A_921 = arith.addf %select_n3A_909, %gather3A_920 : vector<16xf32>
      %select_n3A_922 = arith.select %eq3A_152, %add3A_793, %add3A_834 : vector<16xi1>, vector<16xf32>
      %select_n3A_923 = arith.select %eq3A_152, %add3A_834, %add3A_793 : vector<16xi1>, vector<16xf32>
      %lt3A_924 = arith.constant 0 : i32
      %lt3A_925 = vector.broadcast %lt3A_924 : i32 to vector<16xi32>
      %lt3A_926 = arith.cmpi slt, %xor3A_139, %lt3A_925 : vector<16xi32>
      %add3A_927 = arith.constant 16 : i32
      %add3A_928 = vector.broadcast %add3A_927 : i32 to vector<16xi32>
      %add3A_929 = arith.addi %xor3A_139, %add3A_928 : vector<16xi32>
      %select_n3A_930 = arith.select %lt3A_926, %add3A_929, %xor3A_139 : vector<16xi1>, vector<16xi32>
      %reshape3A_931 = vector.shape_cast %select_n3A_930 : vector<16xi32> to vector<16x1xi32>
      %gather3A_932 = vector.shape_cast %reshape3A_931 : vector<16x1xi32> to vector<16xi32>
      %gather3A_933 = tpu.dynamic_gather %select_n3A_923[%gather3A_932] in [0] : vector<16xf32>, vector<16xi32> -> vector<16xf32>
      %add3A_934 = arith.addf %select_n3A_922, %gather3A_933 : vector<16xf32>
      %select_n3A_935 = arith.select %eq3A_158, %add3A_843, %add3A_856 : vector<16xi1>, vector<16xf32>
      %select_n3A_936 = arith.select %eq3A_158, %add3A_856, %add3A_843 : vector<16xi1>, vector<16xf32>
      %lt3A_937 = arith.constant 0 : i32
      %lt3A_938 = vector.broadcast %lt3A_937 : i32 to vector<16xi32>
      %lt3A_939 = arith.cmpi slt, %xor3A_142, %lt3A_938 : vector<16xi32>
      %add3A_940 = arith.constant 16 : i32
      %add3A_941 = vector.broadcast %add3A_940 : i32 to vector<16xi32>
      %add3A_942 = arith.addi %xor3A_142, %add3A_941 : vector<16xi32>
      %select_n3A_943 = arith.select %lt3A_939, %add3A_942, %xor3A_142 : vector<16xi1>, vector<16xi32>
      %reshape3A_944 = vector.shape_cast %select_n3A_943 : vector<16xi32> to vector<16x1xi32>
      %gather3A_945 = vector.shape_cast %reshape3A_944 : vector<16x1xi32> to vector<16xi32>
      %gather3A_946 = tpu.dynamic_gather %select_n3A_936[%gather3A_945] in [0] : vector<16xf32>, vector<16xi32> -> vector<16xf32>
      %add3A_947 = arith.addf %select_n3A_935, %gather3A_946 : vector<16xf32>
      %select_n3A_948 = arith.select %eq3A_158, %add3A_869, %add3A_882 : vector<16xi1>, vector<16xf32>
      %select_n3A_949 = arith.select %eq3A_158, %add3A_882, %add3A_869 : vector<16xi1>, vector<16xf32>
      %lt3A_950 = arith.constant 0 : i32
      %lt3A_951 = vector.broadcast %lt3A_950 : i32 to vector<16xi32>
      %lt3A_952 = arith.cmpi slt, %xor3A_142, %lt3A_951 : vector<16xi32>
      %add3A_953 = arith.constant 16 : i32
      %add3A_954 = vector.broadcast %add3A_953 : i32 to vector<16xi32>
      %add3A_955 = arith.addi %xor3A_142, %add3A_954 : vector<16xi32>
      %select_n3A_956 = arith.select %lt3A_952, %add3A_955, %xor3A_142 : vector<16xi1>, vector<16xi32>
      %reshape3A_957 = vector.shape_cast %select_n3A_956 : vector<16xi32> to vector<16x1xi32>
      %gather3A_958 = vector.shape_cast %reshape3A_957 : vector<16x1xi32> to vector<16xi32>
      %gather3A_959 = tpu.dynamic_gather %select_n3A_949[%gather3A_958] in [0] : vector<16xf32>, vector<16xi32> -> vector<16xf32>
      %add3A_960 = arith.addf %select_n3A_948, %gather3A_959 : vector<16xf32>
      %select_n3A_961 = arith.select %eq3A_158, %add3A_895, %add3A_908 : vector<16xi1>, vector<16xf32>
      %select_n3A_962 = arith.select %eq3A_158, %add3A_908, %add3A_895 : vector<16xi1>, vector<16xf32>
      %lt3A_963 = arith.constant 0 : i32
      %lt3A_964 = vector.broadcast %lt3A_963 : i32 to vector<16xi32>
      %lt3A_965 = arith.cmpi slt, %xor3A_142, %lt3A_964 : vector<16xi32>
      %add3A_966 = arith.constant 16 : i32
      %add3A_967 = vector.broadcast %add3A_966 : i32 to vector<16xi32>
      %add3A_968 = arith.addi %xor3A_142, %add3A_967 : vector<16xi32>
      %select_n3A_969 = arith.select %lt3A_965, %add3A_968, %xor3A_142 : vector<16xi1>, vector<16xi32>
      %reshape3A_970 = vector.shape_cast %select_n3A_969 : vector<16xi32> to vector<16x1xi32>
      %gather3A_971 = vector.shape_cast %reshape3A_970 : vector<16x1xi32> to vector<16xi32>
      %gather3A_972 = tpu.dynamic_gather %select_n3A_962[%gather3A_971] in [0] : vector<16xf32>, vector<16xi32> -> vector<16xf32>
      %add3A_973 = arith.addf %select_n3A_961, %gather3A_972 : vector<16xf32>
      %select_n3A_974 = arith.select %eq3A_158, %add3A_921, %add3A_934 : vector<16xi1>, vector<16xf32>
      %select_n3A_975 = arith.select %eq3A_158, %add3A_934, %add3A_921 : vector<16xi1>, vector<16xf32>
      %lt3A_976 = arith.constant 0 : i32
      %lt3A_977 = vector.broadcast %lt3A_976 : i32 to vector<16xi32>
      %lt3A_978 = arith.cmpi slt, %xor3A_142, %lt3A_977 : vector<16xi32>
      %add3A_979 = arith.constant 16 : i32
      %add3A_980 = vector.broadcast %add3A_979 : i32 to vector<16xi32>
      %add3A_981 = arith.addi %xor3A_142, %add3A_980 : vector<16xi32>
      %select_n3A_982 = arith.select %lt3A_978, %add3A_981, %xor3A_142 : vector<16xi1>, vector<16xi32>
      %reshape3A_983 = vector.shape_cast %select_n3A_982 : vector<16xi32> to vector<16x1xi32>
      %gather3A_984 = vector.shape_cast %reshape3A_983 : vector<16x1xi32> to vector<16xi32>
      %gather3A_985 = tpu.dynamic_gather %select_n3A_975[%gather3A_984] in [0] : vector<16xf32>, vector<16xi32> -> vector<16xf32>
      %add3A_986 = arith.addf %select_n3A_974, %gather3A_985 : vector<16xf32>
      %select_n3A_987 = arith.select %eq3A_164, %add3A_947, %add3A_960 : vector<16xi1>, vector<16xf32>
      %select_n3A_988 = arith.select %eq3A_164, %add3A_960, %add3A_947 : vector<16xi1>, vector<16xf32>
      %lt3A_989 = arith.constant 0 : i32
      %lt3A_990 = vector.broadcast %lt3A_989 : i32 to vector<16xi32>
      %lt3A_991 = arith.cmpi slt, %xor3A_145, %lt3A_990 : vector<16xi32>
      %add3A_992 = arith.constant 16 : i32
      %add3A_993 = vector.broadcast %add3A_992 : i32 to vector<16xi32>
      %add3A_994 = arith.addi %xor3A_145, %add3A_993 : vector<16xi32>
      %select_n3A_995 = arith.select %lt3A_991, %add3A_994, %xor3A_145 : vector<16xi1>, vector<16xi32>
      %reshape3A_996 = vector.shape_cast %select_n3A_995 : vector<16xi32> to vector<16x1xi32>
      %gather3A_997 = vector.shape_cast %reshape3A_996 : vector<16x1xi32> to vector<16xi32>
      %gather3A_998 = tpu.dynamic_gather %select_n3A_988[%gather3A_997] in [0] : vector<16xf32>, vector<16xi32> -> vector<16xf32>
      %add3A_999 = arith.addf %select_n3A_987, %gather3A_998 : vector<16xf32>
      %select_n3A_1000 = arith.select %eq3A_164, %add3A_973, %add3A_986 : vector<16xi1>, vector<16xf32>
      %select_n3A_1001 = arith.select %eq3A_164, %add3A_986, %add3A_973 : vector<16xi1>, vector<16xf32>
      %lt3A_1002 = arith.constant 0 : i32
      %lt3A_1003 = vector.broadcast %lt3A_1002 : i32 to vector<16xi32>
      %lt3A_1004 = arith.cmpi slt, %xor3A_145, %lt3A_1003 : vector<16xi32>
      %add3A_1005 = arith.constant 16 : i32
      %add3A_1006 = vector.broadcast %add3A_1005 : i32 to vector<16xi32>
      %add3A_1007 = arith.addi %xor3A_145, %add3A_1006 : vector<16xi32>
      %select_n3A_1008 = arith.select %lt3A_1004, %add3A_1007, %xor3A_145 : vector<16xi1>, vector<16xi32>
      %reshape3A_1009 = vector.shape_cast %select_n3A_1008 : vector<16xi32> to vector<16x1xi32>
      %gather3A_1010 = vector.shape_cast %reshape3A_1009 : vector<16x1xi32> to vector<16xi32>
      %gather3A_1011 = tpu.dynamic_gather %select_n3A_1001[%gather3A_1010] in [0] : vector<16xf32>, vector<16xi32> -> vector<16xf32>
      %add3A_1012 = arith.addf %select_n3A_1000, %gather3A_1011 : vector<16xf32>
      %select_n3A_1013 = arith.select %eq3A_170, %add3A_999, %add3A_1012 : vector<16xi1>, vector<16xf32>
      %select_n3A_1014 = arith.select %eq3A_170, %add3A_1012, %add3A_999 : vector<16xi1>, vector<16xf32>
      %lt3A_1015 = arith.constant 0 : i32
      %lt3A_1016 = vector.broadcast %lt3A_1015 : i32 to vector<16xi32>
      %lt3A_1017 = arith.cmpi slt, %xor3A_148, %lt3A_1016 : vector<16xi32>
      %add3A_1018 = arith.constant 16 : i32
      %add3A_1019 = vector.broadcast %add3A_1018 : i32 to vector<16xi32>
      %add3A_1020 = arith.addi %xor3A_148, %add3A_1019 : vector<16xi32>
      %select_n3A_1021 = arith.select %lt3A_1017, %add3A_1020, %xor3A_148 : vector<16xi1>, vector<16xi32>
      %reshape3A_1022 = vector.shape_cast %select_n3A_1021 : vector<16xi32> to vector<16x1xi32>
      %gather3A_1023 = vector.shape_cast %reshape3A_1022 : vector<16x1xi32> to vector<16xi32>
      %gather3A_1024 = tpu.dynamic_gather %select_n3A_1014[%gather3A_1023] in [0] : vector<16xf32>, vector<16xi32> -> vector<16xf32>
      %add3A_1025 = arith.addf %select_n3A_1013, %gather3A_1024 : vector<16xf32>
      %add3A_1026 = arith.addf %add3A_1025, %get3A_137 : vector<16xf32>
      %swap3A = arith.index_cast %mul3A_178 : i32 to index
      %swap3A_1027 = tpu.vector_load %arg13[%swap3A] {strides = array<i32>} : memref<512xf32, #tpu.memory_space<vmem>>, vector<16xf32>,
      tpu.vector_store %arg13[%swap3A], %add3A_1026 {strides = array<i32>} : memref<512xf32, #tpu.memory_space<vmem>>, vector<16xf32>,
    }
    %scan3A_175 = arith.constant 32 : i32
    "tpu.region"() ({
      %run_scoped3A = tpu.sem_alloc : memref<!tpu.dma_semaphore, #tpu.memory_space<semaphore_mem>>
      %dma_start3A_176 = tpu.memref_slice %arg7[%mul3A_2] : memref<16384xf32, #tpu.memory_space<hbm>> -> memref<512xf32, #tpu.memory_space<hbm>>
      %dma_start3A_177 = tpu.memref_slice %arg7[%mul3A_2] : memref<16384xf32, #tpu.memory_space<hbm>> -> memref<512xf32, #tpu.memory_space<hbm>>
      tpu.enqueue_dma source(%arg13 : memref<512xf32, #tpu.memory_space<vmem>>) target(%dma_start3A_177 : memref<512xf32, #tpu.memory_space<hbm>>) target_semaphore(%run_scoped3A : memref<!tpu.dma_semaphore, #tpu.memory_space<semaphore_mem>>)
      %dma_wait3A_178 = tpu.memref_slice %arg7[%mul3A_2] : memref<16384xf32, #tpu.memory_space<hbm>> -> memref<512xf32, #tpu.memory_space<hbm>>
      %dma_wait3A_179 = tpu.memref_slice %arg7[%mul3A_2] : memref<16384xf32, #tpu.memory_space<hbm>> -> memref<512xf32, #tpu.memory_space<hbm>>
      tpu.wait_dma2 semaphore(%run_scoped3A : memref<!tpu.dma_semaphore, #tpu.memory_space<semaphore_mem>>) src(%arg13 : memref<512xf32, #tpu.memory_space<vmem>>) dst(%dma_wait3A_179 : memref<512xf32, #tpu.memory_space<hbm>>)
      tpu.yield
    }) : () -> ()
    return
  }
}

</mosaic_0001>

<sc_bundles>
// kernel: kernel.3.cloned.1.call-start
scs
__scs_entry_jumppad:
0x0: {  	(pc) =	sbr.rel $0x88, $3  }
0x1: {  	(tag) =	ssettag $0x0;
	lr =	simm.s32 $0x1  }
0x2: {  	[smem:$0x3F9B] =	sst lr;
	_ =	strace $0xD0000000  }
0x3: {  	_ = 	snop  }
0x4: {  	_ = 	snop  }
0x5: {  	_ = 	snop  }
0x6: {  	_ = 	snop  }
0x7: {  	_ = 	snop  }
__scs_overlays_trampoline_lowered:
0x8: {  	[smem:$0x3FAA] =	sst s0  }
0x9: {  	[smem:$0x3FAB] =	sst s1  }
0xa: {  	[smem:$0x3FAC] =	sst s2  }
0xb: {  	[smem:$0x3FAD] =	sst s3  }
0xc: {  	[smem:$0x3FAE] =	sst s4  }
0xd: {  	[smem:$0x3FAF] =	sst s5  }
0xe: {  	[smem:$0x3FB0] =	sst s6  }
0xf: {  	[smem:$0x3FB1] =	sst s7  }
0x10: {  	[smem:$0x3FB2] =	sst s8  }
0x11: {  	[smem:$0x3FB3] =	sst s9;
	s0 =	simm.s32 @!p0 $0x0  }
0x12: {  	s1 =	sld [smem:$0x3F99];
	s0 =	simm.s32 @p0 $0x1  }
0x13: {  	[smem:$0x3FB4] =	sst s0;
	s0 =	simm.s32 @!p1 $0x0  }
0x14: {  	s2 =	sld [smem:$0x3F98];
	s0 =	simm.s32 @p1 $0x1  }
0x15: {  	[smem:$0x3FB5] =	sst s0;
	s0 =	simm.s32 @!p2 $0x0  }
0x16: {  	s3 =	sld [smem:$0x3FDB];
	s0 =	simm.s32 @p2 $0x1  }
0x17: {  	s4 =	simm.s32 $0x1BF5;
	[smem:$0x3FB7] =	sst s0  }
0x18: {  	s0 =	sld [smem:$0x3F9A];
	_ =	swait.ge [sflag:s4], $0x0  }
0x19: {  	s7 =	sld [smem:$0x3F9B]  }
0x1a: {  	s8 =	sadd.s32 $0xFFFFE003, lr  }
0x1b: {  	s9 =	sadd.s32 $0xFFFFFEF7, lr;
	s5 =	simm.s32 $0xFFFFFFFF;
	p2 =	slt.u32 s8, $0xFFFFF086  }
0x1c: {  	p1 =	slt.u32 s9, $0xF7A;
	s5 =	simm.s32 @!p2 $0x0  }
0x1d: {  	s5 =	simm.s32 @p1 $0x1;
	p0 =	seq.s32 s7, s2  }
0x1e: {  	s7 =	smul.u32 @!p0 $0xF7A, s2;
	p2 =	seq.s32 @!p0 s5, $0x0  }
0x1f: {  	s9 =	smul.u32 $0xF7A, s1;
	s8 =	simm.s32 @!p0 $0x1BF5;
	p2 =	por !p2, p0  }
0x20: {  	[sflag:s8] =	ssyncset.s32 @!p0 $0xFFFFF086;
	s6 =	sadd.s32 @!p0 s3, s7;
	s7 =	simm.s32 @!p0 $0x108  }
0x21: {  	s3 =	sadd.s32 s3, s9;
	s6 =	sadd.s32 @!p0 $0x88, s6;
	s7 =	simm.s32 @p2 $0x1082  }
0x22: {  	[simem:s7], [sflag:s8] =	dma.local @!p0 [hbm:s6], $0xF7A  }
0x23: {  	s9 =	sor.u32 $0xD0000000, s2;
	s6 =	simm.s32 $0x108;
	_ =	swait.ge @!p0 [sflag:s8], $0x0  }
0x24: {  	s3 =	sadd.s32 $0x88, s3;
	s6 =	simm.s32 @!p1 $0x1082;
	[sflag:s4] =	ssyncset.s32 $0xFFFFF086  }
0x25: {  	[simem:s6], [sflag:s4] =	dma.local [hbm:s3], $0xF7A  }
0x26: {  	[smem:$0x3F9B] =	sst s1;
	(tag) =	ssettag s2;
	_ =	strace s9  }
0x27: {  	s1 =	sld [smem:$0x3FAB]  }
0x28: {  	s2 =	sld [smem:$0x3FAC]  }
0x29: {  	s4 =	sld [smem:$0x3FAE]  }
0x2a: {  	p0 =	seq.s32 s5, $0x0;
	s5 =	sld [smem:$0x3FAF]  }
0x2b: {  	s6 =	sld [smem:$0x3FB0]  }
0x2c: {  	s7 =	sld [smem:$0x3FB1]  }
0x2d: {  	s3 =	simm.s32 $0x108;
	s8 =	sld [smem:$0x3FB2]  }
0x2e: {  	s3 =	simm.s32 @!p0 $0x1082;
	s9 =	sld [smem:$0x3FB3]  }
0x2f: {  	lr =	sadd.s32 s0, s3;
	s0 =	sld [smem:$0x3FAA]  }
0x30: {  	s3 =	sld [smem:$0x3FAD]  }
0x31: {  	[smem:$0x3FB6] =	sst s10  }
0x32: {  	s10 =	sld [smem:$0x3FB4];
	_ =	sdelay $0x3  }
0x33: {  	p0 =	seq.s32 s10, $0x1;
	s10 =	sld [smem:$0x3FB6];
	_ =	sdelay $0x3  }
0x34: {  	[smem:$0x3FB6] =	sst s10  }
0x35: {  	s10 =	sld [smem:$0x3FB5];
	_ =	sdelay $0x3  }
0x36: {  	p1 =	seq.s32 s10, $0x1;
	s10 =	sld [smem:$0x3FB6];
	_ =	sdelay $0x3  }
0x37: {  	[smem:$0x3FB6] =	sst s10  }
0x38: {  	s10 =	sld [smem:$0x3FB7]  }
0x39: {  	_ = 	snop;
	(pc) =	sbr.ind lr, $3  }
0x3a: {  	_ = 	snop  }
0x3b: {  	_ = 	snop  }
0x3c: {  	p2 =	seq.s32 s10, $0x1;
	s10 =	sld [smem:$0x3FB6]  }
0x3d: {  	_ =	shalt  }
0x3e: {  	_ =	shalt  }
0x3f: {  	_ =	shalt  }
0x40: {  	_ =	shalt  }
0x41: {  	_ =	shalt  }
0x42: {  	_ =	shalt  }
0x43: {  	_ =	shalt  }
0x44: {  	_ =	shalt  }
0x45: {  	_ =	shalt  }
0x46: {  	_ =	shalt  }
0x47: {  	_ =	shalt  }
0x48: {  	_ =	shalt  }
0x49: {  	_ =	shalt  }
0x4a: {  	_ =	shalt  }
0x4b: {  	_ =	shalt  }
0x4c: {  	_ =	shalt  }
0x4d: {  	_ =	shalt  }
0x4e: {  	_ =	shalt  }
0x4f: {  	_ =	shalt  }
0x50: {  	_ =	shalt  }
0x51: {  	_ =	shalt  }
0x52: {  	_ =	shalt  }
0x53: {  	_ =	shalt  }
0x54: {  	_ =	shalt  }
0x55: {  	_ =	shalt  }
0x56: {  	_ =	shalt  }
0x57: {  	_ =	shalt  }
0x58: {  	_ =	shalt  }
0x59: {  	_ =	shalt  }
0x5a: {  	_ =	shalt  }
0x5b: {  	_ =	shalt  }
0x5c: {  	_ =	shalt  }
0x5d: {  	_ =	shalt  }
0x5e: {  	_ =	shalt  }
0x5f: {  	_ =	shalt  }
0x60: {  	_ =	shalt  }
0x61: {  	_ =	shalt  }
0x62: {  	_ =	shalt  }
0x63: {  	_ =	shalt  }
0x64: {  	_ =	shalt  }
0x65: {  	_ =	shalt  }
0x66: {  	_ =	shalt  }
0x67: {  	_ =	shalt  }
0x68: {  	_ =	shalt  }
0x69: {  	_ =	shalt  }
0x6a: {  	_ =	shalt  }
0x6b: {  	_ =	shalt  }
0x6c: {  	_ =	shalt  }
0x6d: {  	_ =	shalt  }
0x6e: {  	_ =	shalt  }
0x6f: {  	_ =	shalt  }
0x70: {  	_ =	shalt  }
0x71: {  	_ =	shalt  }
0x72: {  	_ =	shalt  }
0x73: {  	_ =	shalt  }
0x74: {  	_ =	shalt  }
0x75: {  	_ =	shalt  }
0x76: {  	_ =	shalt  }
0x77: {  	_ =	shalt  }
0x78: {  	_ =	shalt  }
0x79: {  	_ =	shalt  }
0x7a: {  	_ =	shalt  }
0x7b: {  	_ =	shalt  }
0x7c: {  	_ =	shalt  }
0x7d: {  	_ =	shalt  }
0x7e: {  	_ =	shalt  }
0x7f: {  	_ =	shalt  }
0x80: {  	_ =	shalt  }
0x81: {  	_ =	shalt  }
0x82: {  	_ =	shalt  }
0x83: {  	_ =	shalt  }
0x84: {  	_ =	shalt  }
0x85: {  	_ =	shalt  }
0x86: {  	_ =	shalt  }
0x87: {  	_ =	shalt  }
.Lfunc_end0:
.L_simem_size_0:
called_computation_lowered:
.L_overlay_start_0:
0x88: {  	s2 =	sld [smem:$0x3FD9]  }
0x89: {  	s3 =	sld [smem:$0x3FFE];
	_ =	sdelay $0x1  }
0x8a: {  	s1 =	srdreg.scid  }
0x8b: {  	s0 =	sand.u32 $0x1, s1  }
0x8c: {  	s17 =	sshll.u32 s0, $0xA;
	s2 =	sadd.s32 s3, s2  }
0x8d: {  	s2 =	sadd.s32 s2, s17  }
0x8e: {  	[smem:$0x3FC2] =	sst s2  }
0x8f: {  	_ = 	snop  }
0x90: {  	s2 =	sld [smem:$0x3FC9]  }
0x91: {  	s18 =	sld [smem:$0x3FC8]  }
0x92: {  	s4 =	sld [smem:$0x3FD0];
	(tm) =	ssettm $0x1  }
0x93: {  	s5 =	sld [smem:$0x3FFB];
	_ =	sdelay $0x3  }
0x94: {  	_ =	strace s5  }
0x95: {  	s5 =	sld [smem:$0x3FFC];
	_ =	sdelay $0x3  }
0x96: {  	_ =	strace s5  }
0x97: {  	s5 =	sld [smem:$0x3FFD];
	_ =	sdelay $0x3  }
0x98: {  	_ =	strace s5  }
0x99: {  	_ =	strace $0x8FFFFFFF  }
0x9a: {  	s19 =	sld [smem:$0x3FDB];
	_ =	sdelay $0x1  }
0x9b: {  	s6 =	simm.s32 $_scs_section_size  }
0x9c: {  	s7 =	simm.s32 $_size__tile_overlayer_lowered;
	s8 =	simm.s32 $_tile_overlayer_lowered  }
0x9d: {  	s22 =	simm.s32 $0x1BFF;
	s21 =	sshll.u32 s8, $0x1;
	s5 =	sadd.s32 s6, s19  }
0x9e: {  	s9 =	simm.s32 $0x0;
	s20 =	sshll.u32 s7, $0x1;
	s7 =	sadd.s32 s21, s5  }
0x9f: {  	[timem:s9], [sflag:s22] =	dma.local [hbm:s7], s20  }
0xa0: {  	_ =	swait.ge [sflag:s22], s20  }
0xa1: {  	s6 =	ssub.s32 $0x0, s20;
	[sflag:s22] =	ssyncset.done $0x0  }
0xa2: {  	[sflag:s22] =	ssyncadd.s32 s6;
	_ =	sdelay $0x1  }
0xa3: {  	s23 =	simm.s32 $0x1B8B  }
0xa4: {  	_ =	swait.ge [sflag:s23], $0x1  }
0xa5: {  	[sflag:s23] =	ssyncset.done $0x0  }
0xa6: {  	s25 =	simm.s32 $0x1B8E;
	s24 =	sld [smem:$0x3FFE];
	[sflag:s23] =	ssyncadd.s32 $0xFFFFFFFF  }
0xa7: {  	s26 =	simm.s32 $execute0_lowered;
	[smem:$0x3FD2] =	sst s25  }
0xa8: {  	s7 =	sshll.u32 s26, $0x1;
	_ =	strace $0x80000046;
	[dreg:$0x1] =	wrdreg $0xFFFFFFFF  }
0xa9: {  	s28 =	simm.s32 $_size_execute0_lowered;
	s5 =	sadd.s32 s5, s7;
	[dreg:$0x0] =	wrdreg $0x0  }
0xaa: {  	s7 =	sshll.u32 s28, $0x1;
	[dreg:$0x2] =	wrdreg s5  }
0xab: {  	[dreg:$0x3] =	wrdreg s7  }
0xac: {  	[dreg:$0x4] =	wrdreg $0xC0  }
0xad: {  	_ =	task [dreg:s9], $0x5FFFF  }
0xae: {  	[dreg:$0x1] =	wrdreg $0xFFFFFFFF  }
0xaf: {  	[dreg:$0x0] =	wrdreg $0x60  }
0xb0: {  	[dreg:$0x2] =	wrdreg s2  }
0xb1: {  	[dreg:$0x3] =	wrdreg s18  }
0xb2: {  	[dreg:$0x4] =	wrdreg s24  }
0xb3: {  	[dreg:$0x5] =	wrdreg s4  }
0xb4: {  	[dreg:$0x6] =	wrdreg $0x9  }
0xb5: {  	_ =	task.clear_ibuf [dreg:s9], $0x7FFFF;
	_ =	strace $0x90000046  }
0xb6: {  	s29 =	simm.s32 $0x9;
	_ =	strace $0x80000048  }
0xb7: {  	_ =	swait.ge [sflag:s29], $0x1  }
0xb8: {  	[sflag:s29] =	ssyncadd.s32 $0xFFFFFFFF  }
0xb9: {  	_ =	strace $0x90000048  }
0xba: {  	_ =	sfence  }
0xbb: {  	s30 =	sld [smem:$0x0];
	_ =	sdelay $0x2  }
0xbc: {  	s31 =	sshll.u32 s1, $0xD;
	s1 =	sshrl.u32 s1, $0x2  }
0xbd: {  	s3 =	sand.u32 $0x4000, s31;
	s1 =	sadd.s32 s1, s30  }
0xbe: {  	s0 =	sor.u32 s3, s0;
	s1 =	sshll.u32 s1, $0x11  }
0xbf: {  	s0 =	sor.u32 s1, s0  }
0xc0: {  	s0 =	sadd.s32 $0x8F2B, s0  }
0xc1: {  	[sflag:s0] =	ssyncadd.remote.s32 $0x1  }
0xc2: {  	_ =	sfence.sel $0xFFFF  }
0xc3: {  	[dreg:$0x0] =	wrdreg $0xFFFFFFFF;
	(pc) =	sbr.abs _section_cstart, $3  }
0xc4: {  	[dreg:$0x1] =	wrdreg $0xFFFFFFFF  }
0xc5: {  	_ =	task.clear_ibuf [dreg:s9], $0x2FFFF;
	_ =	strace $0x9FFFFFFF  }
0xc6: {  	(tm) =	ssettm $0x7FFFFFFF  }
0xc7: {  	_ =	shalt  }
tec
execute0_lowered:
.L_overlay_start_1:
0x0: {  	(tag) =	ssettag $0x1  }
0x1: {  	vm0 =	vcmask $0xB08  }
0x2: {  	vm1 =	vcmask $0x300;
	v0 =	vimm.s32 $0xEFCDAB89;
	v1 =	vimm.s32 $0x67452301  }
0x3: {  	v2 =	vimm.s32 $0xDCFE98BA;
	v3 =	vimm.s32 $0xBA98FEDC;
	v4 =	vimm.s32 $0x32107654  }
0x4: {  	s0 =	rddreg [dreg:$0x0];
	vm2 =	vcmask $0x700;
	vm0 =	vmor vm1, vm0;
	vm1 =	vcmask $0x1310  }
0x5: {  	s3 =	rddreg [dreg:$0x1];
	v0 =	vunpack.c.l.s4.s8 v0;
	v1 =	vunpack.c.l.s4.s8 v1;
	v3 =	vunpack.c.l.s4.s8 v3  }
0x6: {  	s5 =	rddreg [dreg:$0x2];
	v4 =	vunpack.c.l.s4.s8 v4;
	vm0 =	vmor vm0, vm1;
	vm1 =	vcmask $0x1B18  }
0x7: {  	s8 =	rddreg [dreg:$0x3];
	vm0 =	vmor vm0, vm1;
	v0 =	vunpack.c.0.s8.s32 v0;
	v1 =	vunpack.c.0.s8.s32 v1  }
0x8: {  	s1 =	simm.s32 $0x0;
	s4 =	srdreg.scid;
	s10 =	stileid.u32;
	vm1 =	vcmask $0x2320;
	v3 =	vunpack.c.0.s8.s32 v3;
	v4 =	vunpack.c.0.s8.s32 v4  }
0x9: {  	s11 =	simm.s32 $0x200;
	s12 =	simm.s32 $0x10400;
	s13 =	simm.s32 $0x80;
	v0 =	vcombine.low v1, v0;
	v1 =	vunpack.c.l.s4.s8 v2;
	v2 =	vimm.s32 $0x54761032  }
0xa: {  	s14 =	simm.s32 $0x400;
	s15 =	simm.s32 $0x8400;
	s16 =	simm.s32 $0x2400;
	vm0 =	vmor vm0, vm1;
	vm1 =	vcmask $0x2B28;
	v2 =	vunpack.c.l.s4.s8 v2  }
0xb: {  	s17 =	simm.s32 $0x280;
	s18 =	simm.s32 $0xA400;
	s20 =	simm.s32 $0x4400;
	vm3 =	vcmask $0xF00;
	vm0 =	vmor vm0, vm1;
	vm1 =	vcmask $0x3330  }
0xc: {  	s21 =	simm.s32 $0x300;
	s22 =	simm.s32 $0xC400;
	s23 =	simm.s32 $0x180;
	v3 =	vcombine.low v4, v3;
	v1 =	vunpack.c.0.s8.s32 v1;
	v2 =	vunpack.c.0.s8.s32 v2  }
0xd: {  	s19 =	simm.s32 $0x100;
	s24 =	simm.s32 $0x6400;
	s25 =	simm.s32 $0x380;
	v4 =	vimm.s32 $0x76543210;
	vm0 =	vmor vm0, vm1;
	vm1 =	vcmask $0x3B38  }
0xe: {  	s26 =	simm.s32 $0xE400;
	s28 =	simm.s32 $0x1;
	s29 =	simm.s32 $0x10480;
	v4 =	vunpack.c.l.s4.s8 v4;
	v1 =	vcombine.low v2, v1;
	v2 =	vimm.s32 $0xFEDCBA98  }
0xf: {  	s30 =	simm.s32 $0x0;
	[smem:$0x7FF] =	sst s1;
	s2 =	sadd.s32 $0xF42800, s5;
	vm0 =	vmor vm0, vm1;
	vm1 =	vcmask $0x1710;
	v2 =	vunpack.c.l.s4.s8 v2  }
0x10: {  	s6 =	sand.u32 $0x1, s4;
	s4 =	sadd.s32 $0x186E00, s5;
	s10 =	sshll.u32 s10, $0x7;
	v0 =	vand.u32 $0xF, v0;
	vm1 =	vmor vm2, vm1;
	vm2 =	vcmask $0x2720  }
0x11: {  	s5 =	sadd.s32 $0x400, s5;
	s7 =	ssub.s32 $0x2, s6;
	s6 =	sshll.u32 s6, $0x6;
	vm1 =	vmor vm1, vm2;
	vm2 =	vcmask $0x3730;
	v2 =	vunpack.c.0.s8.s32 v2  }
0x12: {  	_ =	strace $0x80000047;
	s9 =	sshrl.u32 s7, $0x1;
	s10 =	sor.u32 s6, s10;
	v4 =	vunpack.c.0.s8.s32 v4;
	vm1 =	vmor vm1, vm2;
	vm2 =	vcmask $0x2F20  }
0x13: {  	s9 =	ssub.s32 s7, s9;
	s6 =	sadd.s32 s0, s10;
	s7 =	sadd.s32 s3, s10;
	vm2 =	vmor vm3, vm2;
	vm3 =	vmmov $0xff;
	v5 =	vand.u32 $0xF, v2  }
0x14: {  	s8 =	sadd.s32 s8, s10;
	s10 =	simm.s32 $0x2;
	s9 =	smax.u32 s9, $0x1;
	v1 =	vand.u32 $0xF, v1;
	v2 =	vand.u32 $0xF, v3;
	v3 =	vcombine.low v5, v4  }
.LBB2_1:
0x15: {  	[tilespmem:s1], [sflag:$0x2] =	stream.linear.gather [hbm4b:s6+s1], $0x200, $0x38;
	[tilespmem:$0x10680] =	vst v63  }
0x16: {  	_ =	swait.ge [sflag:s10], $0x200  }
0x17: {  	[sflag:s10] =	ssyncset.done $0x0  }
0x18: {  	[sflag:s10] =	ssyncadd.s32 $0xFFFFFE00  }
0x19: {  	[tilespmem:s11], [sflag:$0x2] =	stream.linear.gather [hbm4b:s7+s1], $0x200, $0x38;
	[tilespmem:$0x10680] =	vst v63  }
0x1a: {  	_ =	swait.ge [sflag:s10], $0x200  }
0x1b: {  	[sflag:s10] =	ssyncset.done $0x0  }
0x1c: {  	[sflag:s10] =	ssyncadd.s32 $0xFFFFFE00  }
0x1d: {  	[tilespmem:s12], [sflag:$0x2] =	stream.linear.gather [hbm4b:s5+s1], $0x80, $0x38;
	[tilespmem:$0x10680] =	vst v63  }
0x1e: {  	_ =	swait.ge [sflag:s10], $0x80  }
0x1f: {  	[sflag:s10] =	ssyncset.done $0x0  }
0x20: {  	[sflag:s10] =	ssyncadd.s32 $0xFFFFFF80  }
0x21: {  	[tilespmem:s14], [sflag:$0x1] =	stream.indirect.gather [hbm4b:s2+s13], $0x40, s1, s13, $0xb8;
	[tilespmem:$0x10680] =	vst v63  }
0x22: {  	_ = 	snop  }
0x23: {  	[tilespmem:s15], [sflag:$0x1] =	stream.indirect.gather [hbm4b:s4+s13], $0x40, s11, s13, $0xb8;
	[tilespmem:$0x10680] =	vst v63  }
0x24: {  	_ = 	snop  }
0x25: {  	[tilespmem:s16], [sflag:$0x1] =	stream.indirect.gather [hbm4b:s2+s13], $0x40, s13, s13, $0xb8;
	[tilespmem:$0x10680] =	vst v63  }
0x26: {  	_ = 	snop  }
0x27: {  	[tilespmem:s18], [sflag:$0x1] =	stream.indirect.gather [hbm4b:s4+s13], $0x40, s17, s13, $0xb8;
	[tilespmem:$0x10680] =	vst v63  }
0x28: {  	_ = 	snop  }
0x29: {  	[tilespmem:s20], [sflag:$0x1] =	stream.indirect.gather [hbm4b:s2+s13], $0x40, s19, s13, $0xb8;
	[tilespmem:$0x10680] =	vst v63  }
0x2a: {  	_ = 	snop  }
0x2b: {  	[tilespmem:s22], [sflag:$0x1] =	stream.indirect.gather [hbm4b:s4+s13], $0x40, s21, s13, $0xb8;
	[tilespmem:$0x10680] =	vst v63  }
0x2c: {  	_ = 	snop  }
0x2d: {  	[tilespmem:s24], [sflag:$0x1] =	stream.indirect.gather [hbm4b:s2+s13], $0x40, s23, s13, $0xb8;
	[tilespmem:$0x10680] =	vst v63  }
0x2e: {  	_ = 	snop  }
0x2f: {  	[tilespmem:s26], [sflag:$0x1] =	stream.indirect.gather [hbm4b:s4+s13], $0x40, s25, s13, $0xb8;
	[tilespmem:$0x10680] =	vst v63  }
0x30: {  	_ =	swait.ge [sflag:s28], $0x2000  }
0x31: {  	[sflag:s28] =	ssyncset.done $0x0  }
0x32: {  	[sflag:s28] =	ssyncadd.s32 $0xFFFFE000  }
0x33: {  	_ =	swait.ge [sflag:s28], $0x2000  }
0x34: {  	[sflag:s28] =	ssyncset.done $0x0  }
0x35: {  	[sflag:s28] =	ssyncadd.s32 $0xFFFFE000  }
0x36: {  	_ =	swait.ge [sflag:s28], $0x2000  }
0x37: {  	[sflag:s28] =	ssyncset.done $0x0  }
0x38: {  	[sflag:s28] =	ssyncadd.s32 $0xFFFFE000  }
0x39: {  	_ =	swait.ge [sflag:s28], $0x2000  }
0x3a: {  	[sflag:s28] =	ssyncset.done $0x0  }
0x3b: {  	[sflag:s28] =	ssyncadd.s32 $0xFFFFE000  }
0x3c: {  	_ =	swait.ge [sflag:s28], $0x2000  }
0x3d: {  	[sflag:s28] =	ssyncset.done $0x0  }
0x3e: {  	[sflag:s28] =	ssyncadd.s32 $0xFFFFE000  }
0x3f: {  	_ =	swait.ge [sflag:s28], $0x2000  }
0x40: {  	[sflag:s28] =	ssyncset.done $0x0  }
0x41: {  	[sflag:s28] =	ssyncadd.s32 $0xFFFFE000  }
0x42: {  	_ =	swait.ge [sflag:s28], $0x2000  }
0x43: {  	[sflag:s28] =	ssyncset.done $0x0  }
0x44: {  	[sflag:s28] =	ssyncadd.s32 $0xFFFFE000  }
0x45: {  	_ =	swait.ge [sflag:s28], $0x2000  }
0x46: {  	[sflag:s28] =	ssyncset.done $0x0  }
0x47: {  	[sflag:s28] =	ssyncadd.s32 $0xFFFFE000  }
0x48: {  	v4 =	vld [tilespmem:$0x10400]  }
0x49: {  	v5 =	vld [tilespmem:$0x10410]  }
0x4a: {  	v6 =	vld [tilespmem:$0x10420]  }
0x4b: {  	v7 =	vld [tilespmem:$0x10430]  }
0x4c: {  	s31 =	simm.s32 $0x10480;
	s0 =	simm.s32 $0x0;
	v8 =	vld [tilespmem:$0x10440]  }
.LBB2_2:
0x4d: {  	s3 =	sshra.s32 s0, $0x2  }
0x4e: {  	v9 =	vld [tilespmem:s3+$0x400]  }
0x4f: {  	v10 =	vld [tilespmem:s3+$0x8400]  }
0x50: {  	v11 =	vld [tilespmem:s3+$0x410]  }
0x51: {  	v12 =	vld [tilespmem:s3+$0x8410]  }
0x52: {  	v13 =	vld [tilespmem:s3+$0x420]  }
0x53: {  	v14 =	vld [tilespmem:s3+$0x8420]  }
0x54: {  	v15 =	vld [tilespmem:s3+$0x430]  }
0x55: {  	v16 =	vld [tilespmem:s3+$0x8430]  }
0x56: {  	v17 =	vld [tilespmem:s3+$0x440]  }
0x57: {  	v18 =	vld [tilespmem:s3+$0x8440]  }
0x58: {  	v19 =	vld [tilespmem:s3+$0x450]  }
0x59: {  	v20 =	vld [tilespmem:s3+$0x8450]  }
0x5a: {  	v21 =	vld [tilespmem:s3+$0x460]  }
0x5b: {  	v22 =	vld [tilespmem:s3+$0x8460]  }
0x5c: {  	v23 =	vld [tilespmem:s3+$0x470]  }
0x5d: {  	v24 =	vld [tilespmem:s3+$0x8470]  }
0x5e: {  	v25 =	vld [tilespmem:s3+$0x480]  }
0x5f: {  	v26 =	vld [tilespmem:s3+$0x8480]  }
0x60: {  	v27 =	vld [tilespmem:s3+$0x490]  }
0x61: {  	v28 =	vld [tilespmem:s3+$0x8490]  }
0x62: {  	v29 =	vld [tilespmem:s3+$0x4A0]  }
0x63: {  	v30 =	vld [tilespmem:s3+$0x84A0]  }
0x64: {  	v31 =	vld [tilespmem:s3+$0x4B0]  }
0x65: {  	v32 =	vld [tilespmem:s3+$0x84B0]  }
0x66: {  	v33 =	vld [tilespmem:s3+$0x4C0]  }
0x67: {  	v34 =	vld [tilespmem:s3+$0x84C0]  }
0x68: {  	v35 =	vld [tilespmem:s3+$0x4D0]  }
0x69: {  	v36 =	vld [tilespmem:s3+$0x84D0]  }
0x6a: {  	v37 =	vld [tilespmem:s3+$0x4E0]  }
0x6b: {  	v38 =	vld [tilespmem:s3+$0x84E0]  }
0x6c: {  	v39 =	vld [tilespmem:s3+$0x4F0]  }
0x6d: {  	v40 =	vld [tilespmem:s3+$0x84F0]  }
0x6e: {  	v41 =	vld [tilespmem:s3+$0x500]  }
0x6f: {  	v42 =	vld [tilespmem:s3+$0x8500]  }
0x70: {  	v43 =	vld [tilespmem:s3+$0x510]  }
0x71: {  	v44 =	vld [tilespmem:s3+$0x8510]  }
0x72: {  	v45 =	vld [tilespmem:s3+$0x520]  }
0x73: {  	v46 =	vld [tilespmem:s3+$0x8520]  }
0x74: {  	v47 =	vld [tilespmem:s3+$0x530]  }
0x75: {  	v48 =	vld [tilespmem:s3+$0x8530]  }
0x76: {  	v49 =	vld [tilespmem:s3+$0x540]  }
0x77: {  	v50 =	vld [tilespmem:s3+$0x8540]  }
0x78: {  	v51 =	vld [tilespmem:s3+$0x550]  }
0x79: {  	v52 =	vld [tilespmem:s3+$0x8550]  }
0x7a: {  	v53 =	vld [tilespmem:s3+$0x560];
	v9 =	vadd.f32 v9, v4;
	v10 =	vadd.f32 v10, v4  }
0x7b: {  	v54 =	vld [tilespmem:s3+$0x8560];
	v11 =	vadd.f32 v11, v5;
	v12 =	vadd.f32 v12, v5  }
0x7c: {  	v55 =	vld [tilespmem:s3+$0x570];
	v60 =	vadd.f32 v18, v4;
	v61 =	vadd.f32 v19, v5  }
0x7d: {  	v18 =	vld [tilespmem:s3+$0x8570];
	v62 =	vadd.f32 v20, v5;
	v13 =	vadd.f32 v13, v6  }
0x7e: {  	v20 =	vld [tilespmem:s3+$0x580];
	v14 =	vadd.f32 v14, v6;
	v63 =	vadd.f32 v21, v6  }
0x7f: {  	v56 =	vadd.f32 v22, v6;
	v22 =	vld [tilespmem:s3+$0x590];
	v16 =	vadd.f32 v16, v7  }
0x80: {  	v19 =	vld [tilespmem:s3+$0x5B0];
	v58 =	vadd.f32 v23, v7;
	v59 =	vadd.f32 v24, v7  }
0x81: {  	v23 =	vld [tilespmem:s3+$0x85B0];
	v29 =	vadd.f32 v29, v6;
	v30 =	vadd.f32 v30, v6  }
0x82: {  	v49 =	vadd.f32 v49, v4;
	v9 =	vmul.f32 v10, v9;
	v10 =	vadd.f32 v17, v4;
	v17 =	vld [tilespmem:s3+$0x8580]  }
0x83: {  	v11 =	vmul.f32 v12, v11;
	v12 =	vmul.f32 v62, v61;
	v62 =	vadd.f32 v27, v5;
	v27 =	vld [tilespmem:s3+$0x85C0]  }
0x84: {  	v50 =	vadd.f32 v50, v4;
	v57 =	vmul.f32 v56, v63;
	v56 =	vadd.f32 v33, v4;
	v33 =	vld [tilespmem:s3+$0x5D0]  }
0x85: {  	v51 =	vadd.f32 v51, v5;
	v63 =	vadd.f32 v28, v5;
	v28 =	vld [tilespmem:s3+$0x5E0]  }
0x86: {  	v52 =	vadd.f32 v52, v5;
	v9 =	vadd.f32 v11, v9;
	v11 =	vmul.f32 v14, v13;
	v13 =	vld [tilespmem:s3+$0x8590]  }
0x87: {  	v45 =	vadd.f32 v45, v6;
	v46 =	vadd.f32 v46, v6;
	v10 =	vmul.f32 v60, v10;
	v14 =	vld [tilespmem:s3+$0x5A0]  }
0x88: {  	v53 =	vadd.f32 v53, v6;
	v60 =	vadd.f32 v25, v4;
	v25 =	vld [tilespmem:s3+$0x5C0]  }
0x89: {  	v21 =	vmul.f32 v63, v62;
	v62 =	vmul.f32 v30, v29;
	v29 =	vld [tilespmem:s3+$0x600];
	v10 =	vadd.f32 v12, v10  }
0x8a: {  	v9 =	vadd.f32 v11, v9;
	v11 =	vadd.f32 v15, v7;
	v15 =	vld [tilespmem:s3+$0x85A0]  }
0x8b: {  	v61 =	vadd.f32 v26, v4;
	v12 =	vmul.f32 v59, v58;
	v58 =	vadd.f32 v35, v5;
	v35 =	vld [tilespmem:s3+$0x85D0]  }
0x8c: {  	v59 =	vadd.f32 v36, v5;
	v36 =	vmul.f32 v50, v49;
	v50 =	vld [tilespmem:s3+$0x640];
	v10 =	vadd.f32 v57, v10  }
0x8d: {  	v11 =	vmul.f32 v16, v11;
	v16 =	vmul.f32 v61, v60;
	v60 =	vadd.f32 v37, v6;
	v37 =	vld [tilespmem:s3+$0x85E0]  }
0x8e: {  	v57 =	vadd.f32 v34, v4;
	v61 =	vadd.f32 v38, v6;
	v34 =	vld [tilespmem:s3+$0x610]  }
0x8f: {  	v26 =	vmul.f32 v59, v58;
	v58 =	vadd.f32 v39, v7;
	v59 =	vadd.f32 v40, v7;
	v40 =	vld [tilespmem:s3+$0x620]  }
0x90: {  	v9 =	vadd.f32 v11, v9;
	v11 =	vadd.f32 v21, v16;
	v21 =	vld [tilespmem:s3+$0x5F0]  }
0x91: {  	v39 =	vmul.f32 v52, v51;
	v38 =	vmul.f32 v61, v60;
	v61 =	vadd.f32 v42, v4;
	v42 =	vld [tilespmem:s3+$0x8620]  }
0x92: {  	v54 =	vadd.f32 v54, v6;
	v24 =	vmul.f32 v57, v56;
	v60 =	vadd.f32 v41, v4;
	v41 =	vld [tilespmem:s3+$0x8630]  }
0x93: {  	v56 =	vadd.f32 v31, v7;
	v31 =	vmul.f32 v59, v58;
	v58 =	vadd.f32 v39, v36;
	v39 =	vld [tilespmem:s3+$0x650]  }
0x94: {  	v18 =	vadd.f32 v18, v7;
	v20 =	vadd.f32 v20, v4;
	v36 =	vld [tilespmem:s3+$0x660]  }
0x95: {  	v22 =	vadd.f32 v22, v5;
	v51 =	vadd.f32 v35, v5;
	v35 =	vld [tilespmem:s3+$0x8680]  }
0x96: {  	v23 =	vadd.f32 v23, v7;
	v63 =	vadd.f32 v26, v24;
	v26 =	vld [tilespmem:s3+$0x85F0]  }
0x97: {  	v17 =	vadd.f32 v17, v4;
	v57 =	vadd.f32 v32, v7;
	v24 =	vld [tilespmem:s3+$0x8600]  }
0x98: {  	v11 =	vadd.f32 v62, v11;
	v62 =	vadd.f32 v43, v5;
	v43 =	vld [tilespmem:s3+$0x8650]  }
0x99: {  	v13 =	vadd.f32 v13, v5;
	v30 =	vmul.f32 v61, v60;
	v60 =	vadd.f32 v47, v7;
	v47 =	vld [tilespmem:s3+$0x8660]  }
0x9a: {  	v49 =	vadd.f32 v33, v5;
	v16 =	vmul.f32 v57, v56;
	v57 =	vmul.f32 v46, v45;
	v45 =	vld [tilespmem:s3+$0x670]  }
0x9b: {  	v17 =	vmul.f32 v17, v20;
	v14 =	vadd.f32 v14, v6;
	v22 =	vmul.f32 v13, v22;
	v46 =	vld [tilespmem:s3+$0x8670]  }
0x9c: {  	v61 =	vadd.f32 v48, v7;
	v48 =	vadd.f32 v27, v4;
	v27 =	vld [tilespmem:s3+$0x680]  }
0x9d: {  	v15 =	vadd.f32 v15, v6;
	v52 =	vadd.f32 v22, v17;
	v17 =	vld [tilespmem:s3+$0x6A0]  }
0x9e: {  	v28 =	vadd.f32 v28, v6;
	v10 =	vadd.f32 v12, v10;
	v33 =	vmul.f32 v51, v49;
	v22 =	vld [tilespmem:s3+$0x86A0]  }
0x9f: {  	v37 =	vadd.f32 v37, v6;
	v15 =	vmul.f32 v15, v14;
	v49 =	vld [tilespmem:s3+$0x86E0];
	v12 =	vadd.f32 v38, v63  }
0xa0: {  	v59 =	vmul.f32 v54, v53;
	v38 =	vld [tilespmem:s3+$0x8610];
	v63 =	vadd.f32 v44, v5;
	v11 =	vadd.f32 v16, v11  }
0xa1: {  	v44 =	vld [tilespmem:s3+$0x630];
	v15 =	vadd.f32 v15, v52;
	v21 =	vadd.f32 v21, v7  }
0xa2: {  	v54 =	vmul.f32 v37, v28;
	v28 =	vld [tilespmem:s3+$0x6C0];
	v12 =	vadd.f32 v31, v12;
	v31 =	vadd.f32 v59, v58  }
0xa3: {  	v37 =	vld [tilespmem:s3+$0x6E0];
	v32 =	vmul.f32 v63, v62;
	v62 =	vadd.f32 v55, v7;
	v63 =	vadd.f32 v25, v4  }
0xa4: {  	v25 =	vld [tilespmem:s3+$0x690];
	v55 =	vadd.f32 v19, v7;
	v59 =	vadd.f32 v50, v4  }
0xa5: {  	v19 =	vld [tilespmem:s3+$0x6B0];
	v50 =	vadd.f32 v36, v6;
	v26 =	vadd.f32 v26, v7  }
0xa6: {  	v24 =	vadd.f32 v24, v4;
	v51 =	vadd.f32 v47, v6;
	v47 =	vld [tilespmem:s3+$0x750]  }
0xa7: {  	v27 =	vadd.f32 v27, v4;
	v56 =	vadd.f32 v32, v30;
	v32 =	vld [tilespmem:s3+$0x8640];
	v30 =	vmul.f32 v61, v60  }
0xa8: {  	v20 =	vmul.f32 v48, v63;
	v48 =	vld [tilespmem:s3+$0x8690];
	v60 =	vadd.f32 v39, v5;
	v61 =	vadd.f32 v43, v5  }
0xa9: {  	v18 =	vmul.f32 v18, v62;
	v62 =	vadd.f32 v40, v6;
	v63 =	vadd.f32 v42, v6;
	v40 =	vld [tilespmem:s3+$0x6F0]  }
0xaa: {  	v42 =	vld [tilespmem:s3+$0x8720];
	v17 =	vadd.f32 v17, v6;
	v22 =	vadd.f32 v22, v6  }
0xab: {  	v39 =	vld [tilespmem:s3+$0x8730];
	v58 =	vadd.f32 v38, v5;
	v16 =	vadd.f32 v57, v56  }
0xac: {  	v38 =	vld [tilespmem:s3+$0x86F0];
	v14 =	vadd.f32 v18, v31;
	v53 =	vadd.f32 v33, v20  }
0xad: {  	v21 =	vmul.f32 v26, v21;
	v20 =	vld [tilespmem:s3+$0x86B0];
	v56 =	vadd.f32 v29, v4;
	v57 =	vadd.f32 v34, v5  }
0xae: {  	v29 =	vld [tilespmem:s3+$0x86C0];
	v52 =	vmul.f32 v63, v62;
	v62 =	vadd.f32 v35, v4;
	v28 =	vadd.f32 v28, v4  }
0xaf: {  	v31 =	vld [tilespmem:s3+$0x6D0];
	v17 =	vmul.f32 v22, v17;
	v25 =	vadd.f32 v25, v5;
	v19 =	vadd.f32 v19, v7  }
0xb0: {  	v33 =	vld [tilespmem:s3+$0x86D0];
	v13 =	vadd.f32 v30, v16;
	v18 =	vadd.f32 v54, v53;
	v16 =	vmul.f32 v23, v55  }
0xb1: {  	v35 =	vld [tilespmem:s3+$0x720];
	v26 =	vmul.f32 v58, v57;
	v55 =	vadd.f32 v44, v7;
	v57 =	vadd.f32 v41, v7  }
0xb2: {  	v34 =	vld [tilespmem:s3+$0x730];
	v30 =	vmul.f32 v61, v60;
	v60 =	vadd.f32 v46, v7;
	v22 =	vadd.f32 v47, v5  }
0xb3: {  	v23 =	vmul.f32 v24, v56;
	v56 =	vld [tilespmem:s3+$0x8700];
	v32 =	vadd.f32 v32, v4;
	v63 =	vadd.f32 v48, v5  }
0xb4: {  	v58 =	vld [tilespmem:s3+$0x710];
	v47 =	vadd.f32 v42, v6;
	v15 =	vadd.f32 v16, v15  }
0xb5: {  	v54 =	vmul.f32 v51, v50;
	v61 =	vld [tilespmem:s3+$0x8710];
	v23 =	vadd.f32 v26, v23;
	v16 =	vadd.f32 v21, v18  }
0xb6: {  	v44 =	vld [tilespmem:s3+$0x740];
	v24 =	vmul.f32 v32, v59;
	v59 =	vadd.f32 v45, v7;
	v29 =	vadd.f32 v29, v4  }
0xb7: {  	v27 =	vmul.f32 v62, v27;
	v46 =	vld [tilespmem:s3+$0x8740];
	v31 =	vadd.f32 v31, v5;
	v33 =	vadd.f32 v33, v5  }
0xb8: {  	v50 =	vld [tilespmem:s3+$0x8750];
	v25 =	vmul.f32 v63, v25;
	v45 =	vadd.f32 v37, v6;
	v32 =	vadd.f32 v49, v6  }
0xb9: {  	v51 =	vld [tilespmem:s3+$0x760];
	v26 =	vmul.f32 v57, v55;
	v20 =	vadd.f32 v20, v7;
	v23 =	vadd.f32 v52, v23  }
0xba: {  	v55 =	vld [tilespmem:s3+$0x780];
	v53 =	vadd.f32 v30, v24;
	v36 =	vmul.f32 v60, v59;
	v25 =	vadd.f32 v25, v27  }
0xbb: {  	v57 =	vld [tilespmem:s3+$0x8780];
	v28 =	vmul.f32 v29, v28;
	v30 =	vadd.f32 v56, v4;
	v21 =	vadd.f32 v58, v5  }
0xbc: {  	v63 =	vld [tilespmem:s3+$0x7C0];
	v31 =	vmul.f32 v33, v31;
	v56 =	vadd.f32 v61, v5;
	v58 =	vadd.f32 v44, v4  }
0xbd: {  	v52 =	vld [tilespmem:s3+$0x8760];
	v49 =	vmul.f32 v32, v45;
	v59 =	vadd.f32 v46, v4;
	v45 =	vadd.f32 v35, v6  }
0xbe: {  	v24 =	vld [tilespmem:s3+$0x700];
	v23 =	vadd.f32 v26, v23;
	v18 =	vadd.f32 v54, v53  }
0xbf: {  	v43 =	vsel vm0, v10, v9;
	v60 =	vld [tilespmem:s3+$0x790];
	v48 =	vadd.f32 v31, v28;
	v17 =	vadd.f32 v17, v25  }
0xc0: {  	v9 =	vsel vm0, v9, v10;
	v61 =	vld [tilespmem:s3+$0x8790];
	v53 =	vadd.f32 v40, v7;
	v54 =	vadd.f32 v38, v7  }
0xc1: {  	v10 =	vsel vm0, v11, v12;
	v44 =	vld [tilespmem:s3+$0x87C0];
	v28 =	vadd.f32 v50, v5;
	v25 =	vadd.f32 v51, v6  }
0xc2: {  	v19 =	vmul.f32 v20, v19;
	v46 =	vld [tilespmem:s3+$0x7D0];
	v50 =	vadd.f32 v55, v4;
	v51 =	vadd.f32 v57, v4  }
0xc3: {  	v33 =	vld [tilespmem:s3+$0x770];
	v20 =	vmul.f32 v59, v58;
	v59 =	vadd.f32 v34, v7;
	v18 =	vadd.f32 v36, v18  }
0xc4: {  	v21 =	vmul.f32 v56, v21;
	v55 =	vld [tilespmem:s3+$0x87B0];
	v26 =	vadd.f32 v49, v48;
	v17 =	vadd.f32 v19, v17  }
0xc5: {  	v57 =	vld [tilespmem:s3+$0x7E0];
	v31 =	vmul.f32 v54, v53;
	v27 =	vadd.f32 v52, v6;
	v24 =	vadd.f32 v24, v4  }
0xc6: {  	v58 =	vld [tilespmem:s3+$0x87E0];
	v22 =	vmul.f32 v28, v22;
	v37 =	vadd.f32 v60, v5;
	v32 =	vadd.f32 v61, v5  }
0xc7: {  	v48 =	vld [tilespmem:s3+$0x87D0];
	v56 =	vmul.f32 v51, v50;
	v28 =	vadd.f32 v44, v4;
	v29 =	vadd.f32 v46, v5  }
0xc8: {  	v49 =	vld [tilespmem:s3+$0x8770];
	v61 =	vadd.f32 v39, v7;
	v33 =	vadd.f32 v33, v7;
	v44 =	vsel vm0, v12, v11  }
0xc9: {  	v52 =	vld [tilespmem:s3+$0x7A0];
	v46 =	vsel vm0, v13, v14;
	v26 =	vadd.f32 v31, v26;
	v20 =	vadd.f32 v22, v20  }
0xca: {  	v53 =	vld [tilespmem:s3+$0x87A0];
	v25 =	vmul.f32 v27, v25;
	v62 =	vmul.f32 v30, v24;
	v24 =	vadd.f32 v63, v4  }
0xcb: {  	v54 =	vld [tilespmem:s3+$0x7B0];
	v50 =	vsel vm0, v23, v18;
	v42 =	vadd.f32 v57, v6;
	v27 =	vadd.f32 v55, v7  }
0xcc: {  	v32 =	vmul.f32 v32, v37;
	v20 =	vadd.f32 v25, v20;
	v25 =	vadd.f32 v58, v6  }
0xcd: {  	v51 =	vsel vm0, v17, v26;
	v19 =	vadd.f32 v21, v62;
	v21 =	vmul.f32 v47, v45  }
0xce: {  	v22 =	vadd.f32 v48, v5;
	v24 =	vmul.f32 v28, v24;
	v31 =	vadd.f32 v49, v7  }
0xcf: {  	v60 =	vld [tilespmem:s3+$0x7F0];
	v63 =	vadd.f32 v52, v6;
	v41 =	vadd.f32 v53, v6;
	v28 =	vmul.f32 v61, v59  }
0xd0: {  	v62 =	vld [tilespmem:s3+$0x87F0];
	v30 =	vadd.f32 v54, v7;
	v45 =	vsel vm0, v14, v13;
	v47 =	vsel vm0, v16, v15  }
0xd1: {  	v48 =	vsel vm0, v18, v23;
	v25 =	vmul.f32 v25, v42;
	v11 =	vperm.xlane v45, v0  }
0xd2: {  	v15 =	vsel vm0, v15, v16;
	v12 =	vperm.xlane v47, v0;
	v13 =	vperm.xlane v48, v0  }
0xd3: {  	v19 =	vadd.f32 v21, v19;
	v22 =	vmul.f32 v22, v29;
	v21 =	vadd.f32 v32, v56  }
0xd4: {  	v34 =	vmul.f32 v41, v63;
	v29 =	vadd.f32 v60, v7;
	v11 =	vadd.f32 v11, v46  }
0xd5: {  	v31 =	vmul.f32 v31, v33;
	v22 =	vadd.f32 v22, v24;
	v24 =	vadd.f32 v62, v7  }
0xd6: {  	v27 =	vmul.f32 v27, v30;
	v12 =	vadd.f32 v12, v15;
	v13 =	vadd.f32 v13, v50  }
0xd7: {  	v21 =	vadd.f32 v34, v21;
	v22 =	vadd.f32 v25, v22;
	v24 =	vmul.f32 v24, v29  }
0xd8: {  	v49 =	vsel vm0, v26, v17;
	v19 =	vadd.f32 v28, v19;
	v20 =	vadd.f32 v31, v20  }
0xd9: {  	v14 =	vperm.xlane v49, v0;
	v21 =	vadd.f32 v27, v21;
	v22 =	vadd.f32 v24, v22  }
0xda: {  	v25 =	vperm.xlane v44, v0;
	v52 =	vsel vm0, v20, v19;
	v24 =	vperm.xlane v43, v0  }
0xdb: {  	v14 =	vadd.f32 v14, v51;
	v15 =	vperm.xlane v52, v0;
	v53 =	vsel vm0, v22, v21  }
0xdc: {  	v10 =	vadd.f32 v25, v10;
	v9 =	vadd.f32 v24, v9;
	v16 =	vperm.xlane v53, v0  }
0xdd: {  	v57 =	vsel vm1, v14, v13;
	v55 =	vsel vm0, v19, v20;
	v56 =	vsel vm0, v21, v22  }
0xde: {  	v15 =	vadd.f32 v15, v55;
	v54 =	vsel vm1, v10, v9;
	v16 =	vadd.f32 v16, v56  }
0xdf: {  	v9 =	vsel vm1, v9, v10;
	v10 =	vsel vm1, v12, v11;
	v17 =	vperm.xlane v54, v1  }
0xe0: {  	v58 =	vperm.xlane v57, v1;
	v10 =	vperm.xlane v10, v1;
	v18 =	vsel vm1, v16, v15  }
0xe1: {  	v11 =	vsel vm1, v11, v12;
	v9 =	vadd.f32 v17, v9;
	v59 =	vperm.xlane v18, v1  }
0xe2: {  	v10 =	vadd.f32 v10, v11;
	v11 =	vsel vm1, v13, v14;
	v60 =	vsel vm1, v15, v16  }
0xe3: {  	v11 =	vadd.f32 v58, v11;
	v61 =	vadd.f32 v59, v60;
	_ =	sdelay $0x1  }
0xe4: {  	v62 =	vsel vm2, v10, v9;
	v63 =	vsel vm2, v61, v11  }
0xe5: {  	v13 =	vperm.xlane v62, v2;
	v14 =	vperm.xlane v63, v2  }
0xe6: {  	v9 =	vsel vm2, v9, v10;
	v10 =	vsel vm2, v11, v61  }
0xe7: {  	v9 =	vadd.f32 v13, v9;
	v10 =	vadd.f32 v14, v10;
	_ =	sdelay $0x1  }
0xe8: {  	v11 =	vsel vm3, v10, v9  }
0xe9: {  	v11 =	vperm.xlane v11, v3  }
0xea: {  	p0 =	sne.s32 s0, $0x1F000;
	v9 =	vsel vm3, v9, v10  }
.Ltmp0:
0xeb: {  	v9 =	vadd.f32 v9, v11;
	(pc) =	sbr.rel @p0 .LBB2_2-.Ltmp0, $3  }
0xec: {  	_ = 	snop  }
0xed: {  	v9 =	vadd.f32 v9, v8;
	_ =	sdelay $0x1  }
0xee: {  	s0 =	sadd.s32 $0x1000, s0;
	[tilespmem:s31+$0x0] =	vst v9;
	s31 =	sadd.s32 $0x10, s31  }
0xef: {  	s30 =	sadd.s32 $0x1, s30  }
0xf0: {  	p0 =	sne.s32 s30, s9  }
.Ltmp1:
0xf1: {  	_ = 	snop;
	(pc) =	sbr.rel @p0 .LBB2_1-.Ltmp1, $4  }
0xf2: {  	[hbm4b:s8+s1] =	stream.linear.scatter [tilespmem:s29], [sflag:$0x2], $0x200, $0x38;
	[tilespmem:$0x10680] =	vst v63  }
0xf3: {  	_ =	swait.ge [sflag:s10], $0x200  }
0xf4: {  	[sflag:s10] =	ssyncset.done $0x0  }
0xf5: {  	[sflag:s10] =	ssyncadd.s32 $0xFFFFFE00  }
0xf6: {  	_ =	sfence.sel $0x180000  }
0xf7: {  	[bflag:$0x0] =	sbarrier.arrive $0xFFFF  }
0xf8: {  	_ =	strace $0x90000047  }
0xf9: {  	s0 =	stileid.u32;
	[bflag:$0x2] =	sbarrier.arrive $0xFFFF  }
0xfa: {  	p0 =	sne.s32 s0, $0x0;
	s0 =	rddreg [dreg:$0x4]  }
0xfb: {  	s0 =	sadd.s32 @!p0 $0x100000, s0  }
0xfc: {  	[sflag:s0] =	ssyncadd.tile.s32 @!p0 $0x1;
	_ =	shalt  }
.Lfunc_end2:
_tile_overlayer_lowered:
.L_overlay_start_2:
0xfd: {  	(tag) =	ssettag $0x2  }
0xfe: {  	s0 =	rddreg [dreg:$0x0];
	s2 =	stileid.u32  }
0xff: {  	s1 =	rddreg [dreg:$0x1];
	p0 =	sne.s32 s2, $0x0  }
0x100: {  	s3 =	rddreg [dreg:$0x2];
	[bflag:$0x3] =	sbarrier.arrive $0xFFFF;
	s2 =	simm.s32 @!p0 $0x1C02  }
0x101: {  	[timem:s3], [sflag:s2] =	dma.local @!p0 [hbm:s0], s1  }
0x102: {  	s0 =	simm.s32 @!p0 $0x2  }
0x103: {  	_ =	swait.ge @!p0 [sflag:s0], s1  }
0x104: {  	s1 =	ssub.s32 @!p0 $0x0, s1;
	[sflag:s0] =	ssyncset.done @!p0 $0x0  }
0x105: {  	[sflag:s0] =	ssyncadd.s32 @!p0 s1  }
0x106: {  	[bflag:$0x3] =	sbarrier.arrive $0xFFFF  }
0x107: {  	_ =	shalt  }

</sc_bundles>
